<compile_context>
chip_gen: v7x
topology: tpu7x:2x2x1
jax: 0.10.2.dev20260603
libtpu: 0.0.44.dev20260713+nightly
codegen_flags: <defaults>
</compile_context>

<pallas_src>
import functools

import jax
import jax.numpy as jnp
from jax import lax
from jax.experimental import pallas as pl
from jax.experimental.pallas import tpu as pltpu
from jax.experimental.pallas import tpu_sc as plsc

B, S, F, V, D = 4096, 20, 26, 100000, 32
L = 16
NC, NS = 2, 16
NW = NC * NS

AC = 4992
AFULL = 99840 // AC
ATAIL = V - AFULL * AC
NT = F * AFULL


@functools.cache
def _build_detile():
    mesh = plsc.VectorSubcoreMesh(core_axis_name="c", subcore_axis_name="s")

    @functools.partial(
        pl.kernel,
        mesh=mesh,
        out_type=jax.ShapeDtypeStruct((F * D * V,), jnp.float32),
        scratch_types=[
            pltpu.VMEM((AC,), jnp.float32),
            pltpu.VMEM((AC,), jnp.float32),
            pltpu.VMEM((ATAIL, D), jnp.float32),
            pltpu.VMEM((ATAIL * D,), jnp.float32),
            pltpu.SemaphoreType.DMA,
            pltpu.SemaphoreType.DMA,
            pltpu.SemaphoreType.DMA,
            pltpu.SemaphoreType.DMA,
        ],
        compiler_params=pltpu.CompilerParams(use_tc_tiling_on_sc=True,
                                             needs_layout_passes=False),
    )
    def _detile_kernel(tabt_hbm, tail_hbm, flat_hbm, c0, c1, stg2, tr2,
                       i0, i1, o0, o1):
        buf, isem, osem = [c0, c1], [i0, i1], [o0, o1]
        wid = lax.axis_index("s") * NC + lax.axis_index("c")
        d = wid

        def in_copy(t, b):
            f, c = t // AFULL, t % AFULL
            return pltpu.make_async_copy(
                tabt_hbm.at[f, d, pl.ds(c * AC, AC)], buf[b], isem[b])

        def out_copy(t, b):
            f, c = t // AFULL, t % AFULL
            base = (f * D + d) * V + c * AC
            return pltpu.make_async_copy(
                buf[b], flat_hbm.at[pl.ds(base, AC)], osem[b])

        in_copy(0, 0).start()

        def dbl_body(t2, _):
            for b in range(2):
                t = t2 * 2 + b

                @pl.when(t + 1 < NT)
                def _start_next():
                    in_copy(t + 1, 1 - b).start()

                in_copy(t, b).wait()

                @pl.when(t - 2 >= 0)
                def _drain_prev():
                    out_copy(t - 2, b).wait()

                out_copy(t, b).start()
            return 0

        lax.fori_loop(0, NT // 2, dbl_body, 0, unroll=False)
        for b in range(2):
            out_copy(NT - 2 + b, b).wait()

        @pl.when(wid < F)
        def _tail():
            f = wid
            pltpu.sync_copy(tail_hbm.at[f], stg2)
            colv = lax.iota(jnp.int32, L) * ATAIL

            def t_body(j, _):
                x0 = stg2[j, pl.ds(0, L)]
                x1 = stg2[j, pl.ds(L, L)]
                plsc.store_scatter(tr2, [colv + j], x0)
                plsc.store_scatter(
                    tr2.at[pl.ds(L * ATAIL, L * ATAIL)], [colv + j], x1)
                return 0

            lax.fori_loop(0, ATAIL, t_body, 0, unroll=False)

            def t_out(dd, _):
                base = (f * D + dd) * V + AFULL * AC
                pltpu.sync_copy(tr2.at[pl.ds(dd * ATAIL, ATAIL)],
                                flat_hbm.at[pl.ds(base, ATAIL)])
                return 0

            lax.fori_loop(0, D, t_out, 0, unroll=False)

    return _detile_kernel


@functools.cache
def _build_lookup():
    mesh = plsc.VectorSubcoreMesh(core_axis_name="c", subcore_axis_name="s")

    @functools.partial(
        pl.kernel,
        mesh=mesh,
        out_type=jax.ShapeDtypeStruct((S, F, 4, B // 128, 8, 128),
                                      jnp.float32),
        scratch_types=[
            pltpu.VMEM((V,), jnp.float32),
            pltpu.VMEM((B,), jnp.int32),
            pltpu.VMEM((B,), jnp.int32),
            pltpu.VMEM((B // 128, 128), jnp.float32),
            pltpu.VMEM((B // 128, 128), jnp.float32),
            pltpu.SemaphoreType.DMA,
            pltpu.SemaphoreType.DMA,
            pltpu.SemaphoreType.DMA,
            pltpu.SemaphoreType.DMA,
        ],
        compiler_params=pltpu.CompilerParams(needs_layout_passes=False),
    )
    def _lookup_kernel(idx_hbm, tab_hbm, out_hbm, rowbuf, ib0, ib1, ob0, ob1,
                       is0, is1, os0, os1):
        ibuf, obuf = [ib0, ib1], [ob0, ob1]
        isem, osem = [is0, is1], [os0, os1]
        wid = lax.axis_index("s") * NC + lax.axis_index("c")
        d = wid
        dt, di = d // 8, d % 8

        def idx_copy(f, s, b):
            return pltpu.make_async_copy(
                idx_hbm.at[pl.ds((f * S + s) * B, B)], ibuf[b], isem[b])

        def out_cp(f, s, b):
            return pltpu.make_async_copy(
                obuf[b], out_hbm.at[s, f, dt, :, di, :], osem[b])

        def f_body(f, _):
            pltpu.sync_copy(tab_hbm.at[pl.ds((f * D + d) * V, V)], rowbuf)
            idx_copy(f, 0, 0).start()

            def s_dbl(s2, _):
                for b in range(2):
                    s = s2 * 2 + b

                    @pl.when(s + 1 < S)
                    def _prefetch():
                        idx_copy(f, s + 1, 1 - b).start()

                    idx_copy(f, s, b).wait()

                    @pl.when(s - 2 >= 0)
                    def _drain():
                        out_cp(f, s - 2, b).wait()

                    @plsc.parallel_loop(0, B // L, unroll=16)
                    def g_body(j):
                        iv = ibuf[b][pl.ds(j * L, L)]
                        x = plsc.load_gather(rowbuf, [iv])
                        obuf[b][j // 8, pl.ds((j % 8) * L, L)] = x

                    out_cp(f, s, b).start()
                return 0

            lax.fori_loop(0, S // 2, s_dbl, 0, unroll=False)
            for b in range(2):
                out_cp(f, S - 2 + b, b).wait()
            return 0

        lax.fori_loop(0, F, f_body, 0, unroll=False)

    return _lookup_kernel


def kernel(inputs, tables):
    tabt = jnp.transpose(tables, (0, 2, 1))
    tail = tables[:, AFULL * AC:, :]
    flat = _build_detile()(tabt, tail)
    idx1 = jnp.transpose(inputs, (2, 1, 0)).reshape(F * S * B)
    out6 = _build_lookup()(idx1, flat)
    return jnp.transpose(out6, (3, 5, 0, 1, 2, 4)).reshape(B, S, F, D)

# --- scband reference (transcript-rebuilt; emitter-appended) ---
"""Pipeline reference for scband-cat-embedding-layer-75076028334735 (READ-ONLY COPY).

The authoritative reference and input builder live on the scoring server;
editing this copy changes nothing except your own understanding.
"""

import jax, jax.numpy as jnp
import numpy as np

N_FEATURES = 26
VOCAB = 100000
EMB_DIM = 32
BATCH = 4096
SEQ = 20


def setup_inputs(seed: int = 0) -> dict:
    key = jax.random.key(seed)
    k_idx, k_w = jax.random.split(key)
    inputs = jax.random.randint(k_idx, (BATCH, SEQ, N_FEATURES), 0, VOCAB, dtype=jnp.int32)
    # one embedding table per categorical feature, stacked: [n_features, vocab, emb_dim]
    tables = jax.random.normal(k_w, (N_FEATURES, VOCAB, EMB_DIM), dtype=jnp.float32) * 0.05
    return {"inputs": inputs, "tables": tables}


def reference(inputs, tables):
    # Faithful translation of CatEmbeddingLayer.call:
    # per-feature embedding lookup, then stack along axis=2.
    emb_columns = []
    for i in range(N_FEATURES):
        idx = inputs[:, :, i]                      # [B, S]
        embedded_feature = jnp.take(tables[i], idx, axis=0)  # [B, S, D]
        emb_columns.append(embedded_feature)
    embs = jnp.stack(emb_columns, axis=2)          # [B, S, n_features, D]
    return embs

if __name__ == "__main__":
    import jax
    _d = setup_inputs()
    print(jax.jit(kernel)(*tuple(_d.values())))

</pallas_src>

<mosaic_0001>
#map = affine_map<(d0, d1) -> (0, 0, 0)>
#map1 = affine_map<(d0, d1) -> (0)>
module attributes {stable_mosaic.version = 14 : i64} {
  func.func @_detile_kernel(%arg0: i32, %arg1: i32, %arg2: memref<26x32x100000xf32, #tpu.memory_space<hbm>>, %arg3: memref<26x160x32xf32, #tpu.memory_space<hbm>>, %arg4: memref<83200000xf32, #tpu.memory_space<hbm>>, %arg5: memref<4992xf32, #tpu.memory_space<vmem>>, %arg6: memref<4992xf32, #tpu.memory_space<vmem>>, %arg7: memref<160x32xf32, #tpu.memory_space<vmem>>, %arg8: memref<5120xf32, #tpu.memory_space<vmem>>, %arg9: memref<!tpu.dma_semaphore, #tpu.memory_space<semaphore_mem>>, %arg10: memref<!tpu.dma_semaphore, #tpu.memory_space<semaphore_mem>>, %arg11: memref<!tpu.dma_semaphore, #tpu.memory_space<semaphore_mem>>, %arg12: memref<!tpu.dma_semaphore, #tpu.memory_space<semaphore_mem>>) attributes {dimension_semantics = [#tpu.dimension_semantics<core_parallel>, #tpu.dimension_semantics<subcore_parallel>], iteration_bounds = array<i64: 2, 16>, scalar_prefetch = 0 : i64, scratch_operands = 8 : i64, tpu.core_type = #tpu.core_type<sc_vector_subcore>, window_params = [{transform_indices = #map}, {transform_indices = #map}, {transform_indices = #map1}]} {
    %mul3A = arith.constant 2 : i32
    %mul3A_0 = arith.muli %arg1, %mul3A : i32
    %add3A = arith.addi %mul3A_0, %arg0 : i32
    %dma_start3A = arith.constant 0 : i32
    %dma_start3A_1 = arith.constant 0 : i32
    %dma_start3A_2 = tpu.memref_slice %arg2[%dma_start3A, %add3A, %dma_start3A_1] : memref<26x32x100000xf32, #tpu.memory_space<hbm>> -> memref<1x1x4992xf32, #tpu.memory_space<hbm>>
    %dma_start3A_3 = tpu.memref_squeeze %dma_start3A_2 : memref<1x1x4992xf32, #tpu.memory_space<hbm>> -> memref<4992xf32, #tpu.memory_space<hbm>>
    %dma_start3A_4 = arith.constant 0 : i32
    %dma_start3A_5 = tpu.memref_slice %arg2[%dma_start3A, %add3A, %dma_start3A_4] : memref<26x32x100000xf32, #tpu.memory_space<hbm>> -> memref<1x1x4992xf32, #tpu.memory_space<hbm>>
    %dma_start3A_6 = tpu.memref_squeeze %dma_start3A_5 : memref<1x1x4992xf32, #tpu.memory_space<hbm>> -> memref<4992xf32, #tpu.memory_space<hbm>>
    tpu.enqueue_dma source(%dma_start3A_6 : memref<4992xf32, #tpu.memory_space<hbm>>) target(%arg5 : memref<4992xf32, #tpu.memory_space<vmem>>) target_semaphore(%arg9 : memref<!tpu.dma_semaphore, #tpu.memory_space<semaphore_mem>>)
    %scan3A = arith.constant 0 : i32
    %scan3A_7 = arith.constant 0 : i32
    %scan3A_8 = arith.constant 260 : i32
    %scan3A_9 = arith.addi %scan3A_7, %scan3A_8 : i32
    %scan3A_10 = arith.constant 1 : i32
    %scan3A_11 = scf.for %scan3A_30 = %scan3A_7 to %scan3A_9 step %scan3A_10 iter_args(%scan3A_31 = %scan3A) -> (i32)  : i32 {
      %mul3A_32 = arith.constant 2 : i32
      %mul3A_33 = arith.muli %scan3A_30, %mul3A_32 : i32
      %add3A_34 = arith.constant 0 : i32
      %add3A_35 = arith.addi %mul3A_33, %add3A_34 : i32
      %add3A_36 = arith.constant 1 : i32
      %add3A_37 = arith.addi %add3A_35, %add3A_36 : i32
      %lt3A_38 = arith.constant 520 : i32
      %lt3A_39 = arith.cmpi slt, %add3A_37, %lt3A_38 : i32
      %convert_element_type3A_40 = arith.extui %lt3A_39 : i1 to i32
      %cond3A_41 = arith.constant 0 : i32
      %cond3A_42 = arith.cmpi ne, %convert_element_type3A_40, %cond3A_41 : i32
      scf.if %cond3A_42 {
        %add3A_251 = arith.constant 1 : i32
        %add3A_252 = arith.addi %add3A_35, %add3A_251 : i32
        %jit3A_253 = arith.constant 20 : i32
        %div3A_254 = arith.divsi %add3A_252, %jit3A_253 : i32
        %sign3A_255 = arith.constant 0 : i32
        %sign3A_256 = arith.cmpi sgt, %add3A_252, %sign3A_255 : i32
        %sign3A_257 = arith.extui %sign3A_256 : i1 to i32
        %sign3A_258 = arith.constant 0 : i32
        %sign3A_259 = arith.cmpi slt, %add3A_252, %sign3A_258 : i32
        %sign3A_260 = arith.extui %sign3A_259 : i1 to i32
        %sign3A_261 = arith.subi %sign3A_257, %sign3A_260 : i32
        %sign3A_262 = arith.constant 0 : i32
        %sign3A_263 = arith.cmpi sgt, %jit3A_253, %sign3A_262 : i32
        %sign3A_264 = arith.extui %sign3A_263 : i1 to i32
        %sign3A_265 = arith.constant 0 : i32
        %sign3A_266 = arith.cmpi slt, %jit3A_253, %sign3A_265 : i32
        %sign3A_267 = arith.extui %sign3A_266 : i1 to i32
        %sign3A_268 = arith.subi %sign3A_264, %sign3A_267 : i32
        %ne3A_269 = arith.cmpi ne, %sign3A_261, %sign3A_268 : i32
        %rem3A_270 = arith.remsi %add3A_252, %jit3A_253 : i32
        %ne3A_271 = arith.constant 0 : i32
        %ne3A_272 = arith.cmpi ne, %rem3A_270, %ne3A_271 : i32
        %and3A_273 = arith.andi %ne3A_269, %ne3A_272 : i1
        %sub3A_274 = arith.constant 1 : i32
        %sub3A_275 = arith.subi %div3A_254, %sub3A_274 : i32
        %select_n3A_276 = arith.select %and3A_273, %sub3A_275, %div3A_254 : i32
        %jit3A_277 = arith.constant 20 : i32
        %eq3A_278 = arith.constant 0 : i32
        %eq3A_279 = arith.cmpi eq, %jit3A_277, %eq3A_278 : i32
        %jit3A_280 = arith.constant 1 : i32
        %select_n3A_281 = arith.select %eq3A_279, %jit3A_280, %jit3A_277 : i32
        %rem3A_282 = arith.remsi %add3A_252, %select_n3A_281 : i32
        %ne3A_283 = arith.constant 0 : i32
        %ne3A_284 = arith.cmpi ne, %rem3A_282, %ne3A_283 : i32
        %lt3A_285 = arith.constant 0 : i32
        %lt3A_286 = arith.cmpi slt, %rem3A_282, %lt3A_285 : i32
        %lt3A_287 = arith.constant 0 : i32
        %lt3A_288 = arith.cmpi slt, %select_n3A_281, %lt3A_287 : i32
        %ne3A_289 = arith.xori %lt3A_286, %lt3A_288 : i1
        %and3A_290 = arith.andi %ne3A_289, %ne3A_284 : i1
        %add3A_291 = arith.addi %rem3A_282, %select_n3A_281 : i32
        %select_n3A_292 = arith.select %and3A_290, %add3A_291, %rem3A_282 : i32
        %mul3A_293 = arith.constant 4992 : i32
        %mul3A_294 = arith.muli %select_n3A_292, %mul3A_293 : i32
        %dma_start3A_295 = tpu.memref_slice %arg2[%select_n3A_276, %add3A, %mul3A_294] : memref<26x32x100000xf32, #tpu.memory_space<hbm>> -> memref<1x1x4992xf32, #tpu.memory_space<hbm>>
        %dma_start3A_296 = tpu.memref_squeeze %dma_start3A_295 : memref<1x1x4992xf32, #tpu.memory_space<hbm>> -> memref<4992xf32, #tpu.memory_space<hbm>>
        %dma_start3A_297 = tpu.memref_slice %arg2[%select_n3A_276, %add3A, %mul3A_294] : memref<26x32x100000xf32, #tpu.memory_space<hbm>> -> memref<1x1x4992xf32, #tpu.memory_space<hbm>>
        %dma_start3A_298 = tpu.memref_squeeze %dma_start3A_297 : memref<1x1x4992xf32, #tpu.memory_space<hbm>> -> memref<4992xf32, #tpu.memory_space<hbm>>
        tpu.enqueue_dma source(%dma_start3A_298 : memref<4992xf32, #tpu.memory_space<hbm>>) target(%arg6 : memref<4992xf32, #tpu.memory_space<vmem>>) target_semaphore(%arg10 : memref<!tpu.dma_semaphore, #tpu.memory_space<semaphore_mem>>)
      } else {
      }
      %jit3A = arith.constant 20 : i32
      %div3A = arith.divsi %add3A_35, %jit3A : i32
      %sign3A = arith.constant 0 : i32
      %sign3A_43 = arith.cmpi sgt, %add3A_35, %sign3A : i32
      %sign3A_44 = arith.extui %sign3A_43 : i1 to i32
      %sign3A_45 = arith.constant 0 : i32
      %sign3A_46 = arith.cmpi slt, %add3A_35, %sign3A_45 : i32
      %sign3A_47 = arith.extui %sign3A_46 : i1 to i32
      %sign3A_48 = arith.subi %sign3A_44, %sign3A_47 : i32
      %sign3A_49 = arith.constant 0 : i32
      %sign3A_50 = arith.cmpi sgt, %jit3A, %sign3A_49 : i32
      %sign3A_51 = arith.extui %sign3A_50 : i1 to i32
      %sign3A_52 = arith.constant 0 : i32
      %sign3A_53 = arith.cmpi slt, %jit3A, %sign3A_52 : i32
      %sign3A_54 = arith.extui %sign3A_53 : i1 to i32
      %sign3A_55 = arith.subi %sign3A_51, %sign3A_54 : i32
      %ne3A = arith.cmpi ne, %sign3A_48, %sign3A_55 : i32
      %rem3A = arith.remsi %add3A_35, %jit3A : i32
      %ne3A_56 = arith.constant 0 : i32
      %ne3A_57 = arith.cmpi ne, %rem3A, %ne3A_56 : i32
      %and3A = arith.andi %ne3A, %ne3A_57 : i1
      %sub3A = arith.constant 1 : i32
      %sub3A_58 = arith.subi %div3A, %sub3A : i32
      %select_n3A = arith.select %and3A, %sub3A_58, %div3A : i32
      %jit3A_59 = arith.constant 20 : i32
      %eq3A = arith.constant 0 : i32
      %eq3A_60 = arith.cmpi eq, %jit3A_59, %eq3A : i32
      %jit3A_61 = arith.constant 1 : i32
      %select_n3A_62 = arith.select %eq3A_60, %jit3A_61, %jit3A_59 : i32
      %rem3A_63 = arith.remsi %add3A_35, %select_n3A_62 : i32
      %ne3A_64 = arith.constant 0 : i32
      %ne3A_65 = arith.cmpi ne, %rem3A_63, %ne3A_64 : i32
      %lt3A_66 = arith.constant 0 : i32
      %lt3A_67 = arith.cmpi slt, %rem3A_63, %lt3A_66 : i32
      %lt3A_68 = arith.constant 0 : i32
      %lt3A_69 = arith.cmpi slt, %select_n3A_62, %lt3A_68 : i32
      %ne3A_70 = arith.xori %lt3A_67, %lt3A_69 : i1
      %and3A_71 = arith.andi %ne3A_70, %ne3A_65 : i1
      %add3A_72 = arith.addi %rem3A_63, %select_n3A_62 : i32
      %select_n3A_73 = arith.select %and3A_71, %add3A_72, %rem3A_63 : i32
      %mul3A_74 = arith.constant 4992 : i32
      %mul3A_75 = arith.muli %select_n3A_73, %mul3A_74 : i32
      %dma_wait3A_76 = tpu.memref_slice %arg2[%select_n3A, %add3A, %mul3A_75] : memref<26x32x100000xf32, #tpu.memory_space<hbm>> -> memref<1x1x4992xf32, #tpu.memory_space<hbm>>
      %dma_wait3A_77 = tpu.memref_squeeze %dma_wait3A_76 : memref<1x1x4992xf32, #tpu.memory_space<hbm>> -> memref<4992xf32, #tpu.memory_space<hbm>>
      %dma_wait3A_78 = tpu.memref_slice %arg2[%select_n3A, %add3A, %mul3A_75] : memref<26x32x100000xf32, #tpu.memory_space<hbm>> -> memref<1x1x4992xf32, #tpu.memory_space<hbm>>
      %dma_wait3A_79 = tpu.memref_squeeze %dma_wait3A_78 : memref<1x1x4992xf32, #tpu.memory_space<hbm>> -> memref<4992xf32, #tpu.memory_space<hbm>>
      tpu.wait_dma2 semaphore(%arg9 : memref<!tpu.dma_semaphore, #tpu.memory_space<semaphore_mem>>) src(%dma_wait3A_79 : memref<4992xf32, #tpu.memory_space<hbm>>) dst(%arg5 : memref<4992xf32, #tpu.memory_space<vmem>>)
      %sub3A_80 = arith.constant 2 : i32
      %sub3A_81 = arith.subi %add3A_35, %sub3A_80 : i32
      %ge3A = arith.constant 0 : i32
      %ge3A_82 = arith.cmpi sge, %sub3A_81, %ge3A : i32
      %convert_element_type3A_83 = arith.extui %ge3A_82 : i1 to i32
      %cond3A_84 = arith.constant 0 : i32
      %cond3A_85 = arith.cmpi ne, %convert_element_type3A_83, %cond3A_84 : i32
      scf.if %cond3A_85 {
        %sub3A_251 = arith.constant 2 : i32
        %sub3A_252 = arith.subi %add3A_35, %sub3A_251 : i32
        %jit3A_253 = arith.constant 20 : i32
        %div3A_254 = arith.divsi %sub3A_252, %jit3A_253 : i32
        %sign3A_255 = arith.constant 0 : i32
        %sign3A_256 = arith.cmpi sgt, %sub3A_252, %sign3A_255 : i32
        %sign3A_257 = arith.extui %sign3A_256 : i1 to i32
        %sign3A_258 = arith.constant 0 : i32
        %sign3A_259 = arith.cmpi slt, %sub3A_252, %sign3A_258 : i32
        %sign3A_260 = arith.extui %sign3A_259 : i1 to i32
        %sign3A_261 = arith.subi %sign3A_257, %sign3A_260 : i32
        %sign3A_262 = arith.constant 0 : i32
        %sign3A_263 = arith.cmpi sgt, %jit3A_253, %sign3A_262 : i32
        %sign3A_264 = arith.extui %sign3A_263 : i1 to i32
        %sign3A_265 = arith.constant 0 : i32
        %sign3A_266 = arith.cmpi slt, %jit3A_253, %sign3A_265 : i32
        %sign3A_267 = arith.extui %sign3A_266 : i1 to i32
        %sign3A_268 = arith.subi %sign3A_264, %sign3A_267 : i32
        %ne3A_269 = arith.cmpi ne, %sign3A_261, %sign3A_268 : i32
        %rem3A_270 = arith.remsi %sub3A_252, %jit3A_253 : i32
        %ne3A_271 = arith.constant 0 : i32
        %ne3A_272 = arith.cmpi ne, %rem3A_270, %ne3A_271 : i32
        %and3A_273 = arith.andi %ne3A_269, %ne3A_272 : i1
        %sub3A_274 = arith.constant 1 : i32
        %sub3A_275 = arith.subi %div3A_254, %sub3A_274 : i32
        %select_n3A_276 = arith.select %and3A_273, %sub3A_275, %div3A_254 : i32
        %jit3A_277 = arith.constant 20 : i32
        %eq3A_278 = arith.constant 0 : i32
        %eq3A_279 = arith.cmpi eq, %jit3A_277, %eq3A_278 : i32
        %jit3A_280 = arith.constant 1 : i32
        %select_n3A_281 = arith.select %eq3A_279, %jit3A_280, %jit3A_277 : i32
        %rem3A_282 = arith.remsi %sub3A_252, %select_n3A_281 : i32
        %ne3A_283 = arith.constant 0 : i32
        %ne3A_284 = arith.cmpi ne, %rem3A_282, %ne3A_283 : i32
        %lt3A_285 = arith.constant 0 : i32
        %lt3A_286 = arith.cmpi slt, %rem3A_282, %lt3A_285 : i32
        %lt3A_287 = arith.constant 0 : i32
        %lt3A_288 = arith.cmpi slt, %select_n3A_281, %lt3A_287 : i32
        %ne3A_289 = arith.xori %lt3A_286, %lt3A_288 : i1
        %and3A_290 = arith.andi %ne3A_289, %ne3A_284 : i1
        %add3A_291 = arith.addi %rem3A_282, %select_n3A_281 : i32
        %select_n3A_292 = arith.select %and3A_290, %add3A_291, %rem3A_282 : i32
        %mul3A_293 = arith.constant 32 : i32
        %mul3A_294 = arith.muli %select_n3A_276, %mul3A_293 : i32
        %add3A_295 = arith.addi %mul3A_294, %add3A : i32
        %mul3A_296 = arith.constant 100000 : i32
        %mul3A_297 = arith.muli %add3A_295, %mul3A_296 : i32
        %mul3A_298 = arith.constant 4992 : i32
        %mul3A_299 = arith.muli %select_n3A_292, %mul3A_298 : i32
        %add3A_300 = arith.addi %mul3A_297, %mul3A_299 : i32
        %dma_wait3A_301 = tpu.memref_slice %arg4[%add3A_300] : memref<83200000xf32, #tpu.memory_space<hbm>> -> memref<4992xf32, #tpu.memory_space<hbm>>
        %dma_wait3A_302 = tpu.memref_slice %arg4[%add3A_300] : memref<83200000xf32, #tpu.memory_space<hbm>> -> memref<4992xf32, #tpu.memory_space<hbm>>
        tpu.wait_dma2 semaphore(%arg11 : memref<!tpu.dma_semaphore, #tpu.memory_space<semaphore_mem>>) src(%arg5 : memref<4992xf32, #tpu.memory_space<vmem>>) dst(%dma_wait3A_302 : memref<4992xf32, #tpu.memory_space<hbm>>)
      } else {
      }
      %jit3A_86 = arith.constant 20 : i32
      %div3A_87 = arith.divsi %add3A_35, %jit3A_86 : i32
      %sign3A_88 = arith.constant 0 : i32
      %sign3A_89 = arith.cmpi sgt, %add3A_35, %sign3A_88 : i32
      %sign3A_90 = arith.extui %sign3A_89 : i1 to i32
      %sign3A_91 = arith.constant 0 : i32
      %sign3A_92 = arith.cmpi slt, %add3A_35, %sign3A_91 : i32
      %sign3A_93 = arith.extui %sign3A_92 : i1 to i32
      %sign3A_94 = arith.subi %sign3A_90, %sign3A_93 : i32
      %sign3A_95 = arith.constant 0 : i32
      %sign3A_96 = arith.cmpi sgt, %jit3A_86, %sign3A_95 : i32
      %sign3A_97 = arith.extui %sign3A_96 : i1 to i32
      %sign3A_98 = arith.constant 0 : i32
      %sign3A_99 = arith.cmpi slt, %jit3A_86, %sign3A_98 : i32
      %sign3A_100 = arith.extui %sign3A_99 : i1 to i32
      %sign3A_101 = arith.subi %sign3A_97, %sign3A_100 : i32
      %ne3A_102 = arith.cmpi ne, %sign3A_94, %sign3A_101 : i32
      %rem3A_103 = arith.remsi %add3A_35, %jit3A_86 : i32
      %ne3A_104 = arith.constant 0 : i32
      %ne3A_105 = arith.cmpi ne, %rem3A_103, %ne3A_104 : i32
      %and3A_106 = arith.andi %ne3A_102, %ne3A_105 : i1
      %sub3A_107 = arith.constant 1 : i32
      %sub3A_108 = arith.subi %div3A_87, %sub3A_107 : i32
      %select_n3A_109 = arith.select %and3A_106, %sub3A_108, %div3A_87 : i32
      %jit3A_110 = arith.constant 20 : i32
      %eq3A_111 = arith.constant 0 : i32
      %eq3A_112 = arith.cmpi eq, %jit3A_110, %eq3A_111 : i32
      %jit3A_113 = arith.constant 1 : i32
      %select_n3A_114 = arith.select %eq3A_112, %jit3A_113, %jit3A_110 : i32
      %rem3A_115 = arith.remsi %add3A_35, %select_n3A_114 : i32
      %ne3A_116 = arith.constant 0 : i32
      %ne3A_117 = arith.cmpi ne, %rem3A_115, %ne3A_116 : i32
      %lt3A_118 = arith.constant 0 : i32
      %lt3A_119 = arith.cmpi slt, %rem3A_115, %lt3A_118 : i32
      %lt3A_120 = arith.constant 0 : i32
      %lt3A_121 = arith.cmpi slt, %select_n3A_114, %lt3A_120 : i32
      %ne3A_122 = arith.xori %lt3A_119, %lt3A_121 : i1
      %and3A_123 = arith.andi %ne3A_122, %ne3A_117 : i1
      %add3A_124 = arith.addi %rem3A_115, %select_n3A_114 : i32
      %select_n3A_125 = arith.select %and3A_123, %add3A_124, %rem3A_115 : i32
      %mul3A_126 = arith.constant 32 : i32
      %mul3A_127 = arith.muli %select_n3A_109, %mul3A_126 : i32
      %add3A_128 = arith.addi %mul3A_127, %add3A : i32
      %mul3A_129 = arith.constant 100000 : i32
      %mul3A_130 = arith.muli %add3A_128, %mul3A_129 : i32
      %mul3A_131 = arith.constant 4992 : i32
      %mul3A_132 = arith.muli %select_n3A_125, %mul3A_131 : i32
      %add3A_133 = arith.addi %mul3A_130, %mul3A_132 : i32
      %dma_start3A_134 = tpu.memref_slice %arg4[%add3A_133] : memref<83200000xf32, #tpu.memory_space<hbm>> -> memref<4992xf32, #tpu.memory_space<hbm>>
      %dma_start3A_135 = tpu.memref_slice %arg4[%add3A_133] : memref<83200000xf32, #tpu.memory_space<hbm>> -> memref<4992xf32, #tpu.memory_space<hbm>>
      tpu.enqueue_dma source(%arg5 : memref<4992xf32, #tpu.memory_space<vmem>>) target(%dma_start3A_135 : memref<4992xf32, #tpu.memory_space<hbm>>) target_semaphore(%arg11 : memref<!tpu.dma_semaphore, #tpu.memory_space<semaphore_mem>>)
      %mul3A_136 = arith.constant 2 : i32
      %mul3A_137 = arith.muli %scan3A_30, %mul3A_136 : i32
      %add3A_138 = arith.constant 1 : i32
      %add3A_139 = arith.addi %mul3A_137, %add3A_138 : i32
      %add3A_140 = arith.constant 1 : i32
      %add3A_141 = arith.addi %add3A_139, %add3A_140 : i32
      %lt3A_142 = arith.constant 520 : i32
      %lt3A_143 = arith.cmpi slt, %add3A_141, %lt3A_142 : i32
      %convert_element_type3A_144 = arith.extui %lt3A_143 : i1 to i32
      %cond3A_145 = arith.constant 0 : i32
      %cond3A_146 = arith.cmpi ne, %convert_element_type3A_144, %cond3A_145 : i32
      scf.if %cond3A_146 {
        %add3A_251 = arith.constant 1 : i32
        %add3A_252 = arith.addi %add3A_139, %add3A_251 : i32
        %jit3A_253 = arith.constant 20 : i32
        %div3A_254 = arith.divsi %add3A_252, %jit3A_253 : i32
        %sign3A_255 = arith.constant 0 : i32
        %sign3A_256 = arith.cmpi sgt, %add3A_252, %sign3A_255 : i32
        %sign3A_257 = arith.extui %sign3A_256 : i1 to i32
        %sign3A_258 = arith.constant 0 : i32
        %sign3A_259 = arith.cmpi slt, %add3A_252, %sign3A_258 : i32
        %sign3A_260 = arith.extui %sign3A_259 : i1 to i32
        %sign3A_261 = arith.subi %sign3A_257, %sign3A_260 : i32
        %sign3A_262 = arith.constant 0 : i32
        %sign3A_263 = arith.cmpi sgt, %jit3A_253, %sign3A_262 : i32
        %sign3A_264 = arith.extui %sign3A_263 : i1 to i32
        %sign3A_265 = arith.constant 0 : i32
        %sign3A_266 = arith.cmpi slt, %jit3A_253, %sign3A_265 : i32
        %sign3A_267 = arith.extui %sign3A_266 : i1 to i32
        %sign3A_268 = arith.subi %sign3A_264, %sign3A_267 : i32
        %ne3A_269 = arith.cmpi ne, %sign3A_261, %sign3A_268 : i32
        %rem3A_270 = arith.remsi %add3A_252, %jit3A_253 : i32
        %ne3A_271 = arith.constant 0 : i32
        %ne3A_272 = arith.cmpi ne, %rem3A_270, %ne3A_271 : i32
        %and3A_273 = arith.andi %ne3A_269, %ne3A_272 : i1
        %sub3A_274 = arith.constant 1 : i32
        %sub3A_275 = arith.subi %div3A_254, %sub3A_274 : i32
        %select_n3A_276 = arith.select %and3A_273, %sub3A_275, %div3A_254 : i32
        %jit3A_277 = arith.constant 20 : i32
        %eq3A_278 = arith.constant 0 : i32
        %eq3A_279 = arith.cmpi eq, %jit3A_277, %eq3A_278 : i32
        %jit3A_280 = arith.constant 1 : i32
        %select_n3A_281 = arith.select %eq3A_279, %jit3A_280, %jit3A_277 : i32
        %rem3A_282 = arith.remsi %add3A_252, %select_n3A_281 : i32
        %ne3A_283 = arith.constant 0 : i32
        %ne3A_284 = arith.cmpi ne, %rem3A_282, %ne3A_283 : i32
        %lt3A_285 = arith.constant 0 : i32
        %lt3A_286 = arith.cmpi slt, %rem3A_282, %lt3A_285 : i32
        %lt3A_287 = arith.constant 0 : i32
        %lt3A_288 = arith.cmpi slt, %select_n3A_281, %lt3A_287 : i32
        %ne3A_289 = arith.xori %lt3A_286, %lt3A_288 : i1
        %and3A_290 = arith.andi %ne3A_289, %ne3A_284 : i1
        %add3A_291 = arith.addi %rem3A_282, %select_n3A_281 : i32
        %select_n3A_292 = arith.select %and3A_290, %add3A_291, %rem3A_282 : i32
        %mul3A_293 = arith.constant 4992 : i32
        %mul3A_294 = arith.muli %select_n3A_292, %mul3A_293 : i32
        %dma_start3A_295 = tpu.memref_slice %arg2[%select_n3A_276, %add3A, %mul3A_294] : memref<26x32x100000xf32, #tpu.memory_space<hbm>> -> memref<1x1x4992xf32, #tpu.memory_space<hbm>>
        %dma_start3A_296 = tpu.memref_squeeze %dma_start3A_295 : memref<1x1x4992xf32, #tpu.memory_space<hbm>> -> memref<4992xf32, #tpu.memory_space<hbm>>
        %dma_start3A_297 = tpu.memref_slice %arg2[%select_n3A_276, %add3A, %mul3A_294] : memref<26x32x100000xf32, #tpu.memory_space<hbm>> -> memref<1x1x4992xf32, #tpu.memory_space<hbm>>
        %dma_start3A_298 = tpu.memref_squeeze %dma_start3A_297 : memref<1x1x4992xf32, #tpu.memory_space<hbm>> -> memref<4992xf32, #tpu.memory_space<hbm>>
        tpu.enqueue_dma source(%dma_start3A_298 : memref<4992xf32, #tpu.memory_space<hbm>>) target(%arg5 : memref<4992xf32, #tpu.memory_space<vmem>>) target_semaphore(%arg9 : memref<!tpu.dma_semaphore, #tpu.memory_space<semaphore_mem>>)
      } else {
      }
      %jit3A_147 = arith.constant 20 : i32
      %div3A_148 = arith.divsi %add3A_139, %jit3A_147 : i32
      %sign3A_149 = arith.constant 0 : i32
      %sign3A_150 = arith.cmpi sgt, %add3A_139, %sign3A_149 : i32
      %sign3A_151 = arith.extui %sign3A_150 : i1 to i32
      %sign3A_152 = arith.constant 0 : i32
      %sign3A_153 = arith.cmpi slt, %add3A_139, %sign3A_152 : i32
      %sign3A_154 = arith.extui %sign3A_153 : i1 to i32
      %sign3A_155 = arith.subi %sign3A_151, %sign3A_154 : i32
      %sign3A_156 = arith.constant 0 : i32
      %sign3A_157 = arith.cmpi sgt, %jit3A_147, %sign3A_156 : i32
      %sign3A_158 = arith.extui %sign3A_157 : i1 to i32
      %sign3A_159 = arith.constant 0 : i32
      %sign3A_160 = arith.cmpi slt, %jit3A_147, %sign3A_159 : i32
      %sign3A_161 = arith.extui %sign3A_160 : i1 to i32
      %sign3A_162 = arith.subi %sign3A_158, %sign3A_161 : i32
      %ne3A_163 = arith.cmpi ne, %sign3A_155, %sign3A_162 : i32
      %rem3A_164 = arith.remsi %add3A_139, %jit3A_147 : i32
      %ne3A_165 = arith.constant 0 : i32
      %ne3A_166 = arith.cmpi ne, %rem3A_164, %ne3A_165 : i32
      %and3A_167 = arith.andi %ne3A_163, %ne3A_166 : i1
      %sub3A_168 = arith.constant 1 : i32
      %sub3A_169 = arith.subi %div3A_148, %sub3A_168 : i32
      %select_n3A_170 = arith.select %and3A_167, %sub3A_169, %div3A_148 : i32
      %jit3A_171 = arith.constant 20 : i32
      %eq3A_172 = arith.constant 0 : i32
      %eq3A_173 = arith.cmpi eq, %jit3A_171, %eq3A_172 : i32
      %jit3A_174 = arith.constant 1 : i32
      %select_n3A_175 = arith.select %eq3A_173, %jit3A_174, %jit3A_171 : i32
      %rem3A_176 = arith.remsi %add3A_139, %select_n3A_175 : i32
      %ne3A_177 = arith.constant 0 : i32
      %ne3A_178 = arith.cmpi ne, %rem3A_176, %ne3A_177 : i32
      %lt3A_179 = arith.constant 0 : i32
      %lt3A_180 = arith.cmpi slt, %rem3A_176, %lt3A_179 : i32
      %lt3A_181 = arith.constant 0 : i32
      %lt3A_182 = arith.cmpi slt, %select_n3A_175, %lt3A_181 : i32
      %ne3A_183 = arith.xori %lt3A_180, %lt3A_182 : i1
      %and3A_184 = arith.andi %ne3A_183, %ne3A_178 : i1
      %add3A_185 = arith.addi %rem3A_176, %select_n3A_175 : i32
      %select_n3A_186 = arith.select %and3A_184, %add3A_185, %rem3A_176 : i32
      %mul3A_187 = arith.constant 4992 : i32
      %mul3A_188 = arith.muli %select_n3A_186, %mul3A_187 : i32
      %dma_wait3A_189 = tpu.memref_slice %arg2[%select_n3A_170, %add3A, %mul3A_188] : memref<26x32x100000xf32, #tpu.memory_space<hbm>> -> memref<1x1x4992xf32, #tpu.memory_space<hbm>>
      %dma_wait3A_190 = tpu.memref_squeeze %dma_wait3A_189 : memref<1x1x4992xf32, #tpu.memory_space<hbm>> -> memref<4992xf32, #tpu.memory_space<hbm>>
      %dma_wait3A_191 = tpu.memref_slice %arg2[%select_n3A_170, %add3A, %mul3A_188] : memref<26x32x100000xf32, #tpu.memory_space<hbm>> -> memref<1x1x4992xf32, #tpu.memory_space<hbm>>
      %dma_wait3A_192 = tpu.memref_squeeze %dma_wait3A_191 : memref<1x1x4992xf32, #tpu.memory_space<hbm>> -> memref<4992xf32, #tpu.memory_space<hbm>>
      tpu.wait_dma2 semaphore(%arg10 : memref<!tpu.dma_semaphore, #tpu.memory_space<semaphore_mem>>) src(%dma_wait3A_192 : memref<4992xf32, #tpu.memory_space<hbm>>) dst(%arg6 : memref<4992xf32, #tpu.memory_space<vmem>>)
      %sub3A_193 = arith.constant 2 : i32
      %sub3A_194 = arith.subi %add3A_139, %sub3A_193 : i32
      %ge3A_195 = arith.constant 0 : i32
      %ge3A_196 = arith.cmpi sge, %sub3A_194, %ge3A_195 : i32
      %convert_element_type3A_197 = arith.extui %ge3A_196 : i1 to i32
      %cond3A_198 = arith.constant 0 : i32
      %cond3A_199 = arith.cmpi ne, %convert_element_type3A_197, %cond3A_198 : i32
      scf.if %cond3A_199 {
        %sub3A_251 = arith.constant 2 : i32
        %sub3A_252 = arith.subi %add3A_139, %sub3A_251 : i32
        %jit3A_253 = arith.constant 20 : i32
        %div3A_254 = arith.divsi %sub3A_252, %jit3A_253 : i32
        %sign3A_255 = arith.constant 0 : i32
        %sign3A_256 = arith.cmpi sgt, %sub3A_252, %sign3A_255 : i32
        %sign3A_257 = arith.extui %sign3A_256 : i1 to i32
        %sign3A_258 = arith.constant 0 : i32
        %sign3A_259 = arith.cmpi slt, %sub3A_252, %sign3A_258 : i32
        %sign3A_260 = arith.extui %sign3A_259 : i1 to i32
        %sign3A_261 = arith.subi %sign3A_257, %sign3A_260 : i32
        %sign3A_262 = arith.constant 0 : i32
        %sign3A_263 = arith.cmpi sgt, %jit3A_253, %sign3A_262 : i32
        %sign3A_264 = arith.extui %sign3A_263 : i1 to i32
        %sign3A_265 = arith.constant 0 : i32
        %sign3A_266 = arith.cmpi slt, %jit3A_253, %sign3A_265 : i32
        %sign3A_267 = arith.extui %sign3A_266 : i1 to i32
        %sign3A_268 = arith.subi %sign3A_264, %sign3A_267 : i32
        %ne3A_269 = arith.cmpi ne, %sign3A_261, %sign3A_268 : i32
        %rem3A_270 = arith.remsi %sub3A_252, %jit3A_253 : i32
        %ne3A_271 = arith.constant 0 : i32
        %ne3A_272 = arith.cmpi ne, %rem3A_270, %ne3A_271 : i32
        %and3A_273 = arith.andi %ne3A_269, %ne3A_272 : i1
        %sub3A_274 = arith.constant 1 : i32
        %sub3A_275 = arith.subi %div3A_254, %sub3A_274 : i32
        %select_n3A_276 = arith.select %and3A_273, %sub3A_275, %div3A_254 : i32
        %jit3A_277 = arith.constant 20 : i32
        %eq3A_278 = arith.constant 0 : i32
        %eq3A_279 = arith.cmpi eq, %jit3A_277, %eq3A_278 : i32
        %jit3A_280 = arith.constant 1 : i32
        %select_n3A_281 = arith.select %eq3A_279, %jit3A_280, %jit3A_277 : i32
        %rem3A_282 = arith.remsi %sub3A_252, %select_n3A_281 : i32
        %ne3A_283 = arith.constant 0 : i32
        %ne3A_284 = arith.cmpi ne, %rem3A_282, %ne3A_283 : i32
        %lt3A_285 = arith.constant 0 : i32
        %lt3A_286 = arith.cmpi slt, %rem3A_282, %lt3A_285 : i32
        %lt3A_287 = arith.constant 0 : i32
        %lt3A_288 = arith.cmpi slt, %select_n3A_281, %lt3A_287 : i32
        %ne3A_289 = arith.xori %lt3A_286, %lt3A_288 : i1
        %and3A_290 = arith.andi %ne3A_289, %ne3A_284 : i1
        %add3A_291 = arith.addi %rem3A_282, %select_n3A_281 : i32
        %select_n3A_292 = arith.select %and3A_290, %add3A_291, %rem3A_282 : i32
        %mul3A_293 = arith.constant 32 : i32
        %mul3A_294 = arith.muli %select_n3A_276, %mul3A_293 : i32
        %add3A_295 = arith.addi %mul3A_294, %add3A : i32
        %mul3A_296 = arith.constant 100000 : i32
        %mul3A_297 = arith.muli %add3A_295, %mul3A_296 : i32
        %mul3A_298 = arith.constant 4992 : i32
        %mul3A_299 = arith.muli %select_n3A_292, %mul3A_298 : i32
        %add3A_300 = arith.addi %mul3A_297, %mul3A_299 : i32
        %dma_wait3A_301 = tpu.memref_slice %arg4[%add3A_300] : memref<83200000xf32, #tpu.memory_space<hbm>> -> memref<4992xf32, #tpu.memory_space<hbm>>
        %dma_wait3A_302 = tpu.memref_slice %arg4[%add3A_300] : memref<83200000xf32, #tpu.memory_space<hbm>> -> memref<4992xf32, #tpu.memory_space<hbm>>
        tpu.wait_dma2 semaphore(%arg12 : memref<!tpu.dma_semaphore, #tpu.memory_space<semaphore_mem>>) src(%arg6 : memref<4992xf32, #tpu.memory_space<vmem>>) dst(%dma_wait3A_302 : memref<4992xf32, #tpu.memory_space<hbm>>)
      } else {
      }
      %jit3A_200 = arith.constant 20 : i32
      %div3A_201 = arith.divsi %add3A_139, %jit3A_200 : i32
      %sign3A_202 = arith.constant 0 : i32
      %sign3A_203 = arith.cmpi sgt, %add3A_139, %sign3A_202 : i32
      %sign3A_204 = arith.extui %sign3A_203 : i1 to i32
      %sign3A_205 = arith.constant 0 : i32
      %sign3A_206 = arith.cmpi slt, %add3A_139, %sign3A_205 : i32
      %sign3A_207 = arith.extui %sign3A_206 : i1 to i32
      %sign3A_208 = arith.subi %sign3A_204, %sign3A_207 : i32
      %sign3A_209 = arith.constant 0 : i32
      %sign3A_210 = arith.cmpi sgt, %jit3A_200, %sign3A_209 : i32
      %sign3A_211 = arith.extui %sign3A_210 : i1 to i32
      %sign3A_212 = arith.constant 0 : i32
      %sign3A_213 = arith.cmpi slt, %jit3A_200, %sign3A_212 : i32
      %sign3A_214 = arith.extui %sign3A_213 : i1 to i32
      %sign3A_215 = arith.subi %sign3A_211, %sign3A_214 : i32
      %ne3A_216 = arith.cmpi ne, %sign3A_208, %sign3A_215 : i32
      %rem3A_217 = arith.remsi %add3A_139, %jit3A_200 : i32
      %ne3A_218 = arith.constant 0 : i32
      %ne3A_219 = arith.cmpi ne, %rem3A_217, %ne3A_218 : i32
      %and3A_220 = arith.andi %ne3A_216, %ne3A_219 : i1
      %sub3A_221 = arith.constant 1 : i32
      %sub3A_222 = arith.subi %div3A_201, %sub3A_221 : i32
      %select_n3A_223 = arith.select %and3A_220, %sub3A_222, %div3A_201 : i32
      %jit3A_224 = arith.constant 20 : i32
      %eq3A_225 = arith.constant 0 : i32
      %eq3A_226 = arith.cmpi eq, %jit3A_224, %eq3A_225 : i32
      %jit3A_227 = arith.constant 1 : i32
      %select_n3A_228 = arith.select %eq3A_226, %jit3A_227, %jit3A_224 : i32
      %rem3A_229 = arith.remsi %add3A_139, %select_n3A_228 : i32
      %ne3A_230 = arith.constant 0 : i32
      %ne3A_231 = arith.cmpi ne, %rem3A_229, %ne3A_230 : i32
      %lt3A_232 = arith.constant 0 : i32
      %lt3A_233 = arith.cmpi slt, %rem3A_229, %lt3A_232 : i32
      %lt3A_234 = arith.constant 0 : i32
      %lt3A_235 = arith.cmpi slt, %select_n3A_228, %lt3A_234 : i32
      %ne3A_236 = arith.xori %lt3A_233, %lt3A_235 : i1
      %and3A_237 = arith.andi %ne3A_236, %ne3A_231 : i1
      %add3A_238 = arith.addi %rem3A_229, %select_n3A_228 : i32
      %select_n3A_239 = arith.select %and3A_237, %add3A_238, %rem3A_229 : i32
      %mul3A_240 = arith.constant 32 : i32
      %mul3A_241 = arith.muli %select_n3A_223, %mul3A_240 : i32
      %add3A_242 = arith.addi %mul3A_241, %add3A : i32
      %mul3A_243 = arith.constant 100000 : i32
      %mul3A_244 = arith.muli %add3A_242, %mul3A_243 : i32
      %mul3A_245 = arith.constant 4992 : i32
      %mul3A_246 = arith.muli %select_n3A_239, %mul3A_245 : i32
      %add3A_247 = arith.addi %mul3A_244, %mul3A_246 : i32
      %dma_start3A_248 = tpu.memref_slice %arg4[%add3A_247] : memref<83200000xf32, #tpu.memory_space<hbm>> -> memref<4992xf32, #tpu.memory_space<hbm>>
      %dma_start3A_249 = tpu.memref_slice %arg4[%add3A_247] : memref<83200000xf32, #tpu.memory_space<hbm>> -> memref<4992xf32, #tpu.memory_space<hbm>>
      tpu.enqueue_dma source(%arg6 : memref<4992xf32, #tpu.memory_space<vmem>>) target(%dma_start3A_249 : memref<4992xf32, #tpu.memory_space<hbm>>) target_semaphore(%arg12 : memref<!tpu.dma_semaphore, #tpu.memory_space<semaphore_mem>>)
      %scan3A_250 = arith.constant 0 : i32
      scf.yield %scan3A_250 : i32
    }
    %scan3A_12 = arith.constant 260 : i32
    %add3A_13 = arith.constant 800 : i32
    %add3A_14 = arith.addi %add3A_13, %add3A : i32
    %mul3A_15 = arith.constant 100000 : i32
    %mul3A_16 = arith.muli %add3A_14, %mul3A_15 : i32
    %add3A_17 = arith.constant 89856 : i32
    %add3A_18 = arith.addi %mul3A_16, %add3A_17 : i32
    %dma_wait3A = tpu.memref_slice %arg4[%add3A_18] : memref<83200000xf32, #tpu.memory_space<hbm>> -> memref<4992xf32, #tpu.memory_space<hbm>>
    %dma_wait3A_19 = tpu.memref_slice %arg4[%add3A_18] : memref<83200000xf32, #tpu.memory_space<hbm>> -> memref<4992xf32, #tpu.memory_space<hbm>>
    tpu.wait_dma2 semaphore(%arg11 : memref<!tpu.dma_semaphore, #tpu.memory_space<semaphore_mem>>) src(%arg5 : memref<4992xf32, #tpu.memory_space<vmem>>) dst(%dma_wait3A_19 : memref<4992xf32, #tpu.memory_space<hbm>>)
    %add3A_20 = arith.constant 800 : i32
    %add3A_21 = arith.addi %add3A_20, %add3A : i32
    %mul3A_22 = arith.constant 100000 : i32
    %mul3A_23 = arith.muli %add3A_21, %mul3A_22 : i32
    %add3A_24 = arith.constant 94848 : i32
    %add3A_25 = arith.addi %mul3A_23, %add3A_24 : i32
    %dma_wait3A_26 = tpu.memref_slice %arg4[%add3A_25] : memref<83200000xf32, #tpu.memory_space<hbm>> -> memref<4992xf32, #tpu.memory_space<hbm>>
    %dma_wait3A_27 = tpu.memref_slice %arg4[%add3A_25] : memref<83200000xf32, #tpu.memory_space<hbm>> -> memref<4992xf32, #tpu.memory_space<hbm>>
    tpu.wait_dma2 semaphore(%arg12 : memref<!tpu.dma_semaphore, #tpu.memory_space<semaphore_mem>>) src(%arg6 : memref<4992xf32, #tpu.memory_space<vmem>>) dst(%dma_wait3A_27 : memref<4992xf32, #tpu.memory_space<hbm>>)
    %lt3A = arith.constant 26 : i32
    %lt3A_28 = arith.cmpi slt, %add3A, %lt3A : i32
    %convert_element_type3A = arith.extui %lt3A_28 : i1 to i32
    %cond3A = arith.constant 0 : i32
    %cond3A_29 = arith.cmpi ne, %convert_element_type3A, %cond3A : i32
    scf.if %cond3A_29 {
      "tpu.region"() ({
        %run_scoped3A = tpu.sem_alloc : memref<!tpu.dma_semaphore, #tpu.memory_space<semaphore_mem>>
        %dma_start3A_47 = arith.constant 0 : i32
        %dma_start3A_48 = arith.constant 0 : i32
        %dma_start3A_49 = tpu.memref_slice %arg3[%add3A, %dma_start3A_47, %dma_start3A_48] : memref<26x160x32xf32, #tpu.memory_space<hbm>> -> memref<1x160x32xf32, #tpu.memory_space<hbm>>
        %dma_start3A_50 = tpu.memref_squeeze %dma_start3A_49 : memref<1x160x32xf32, #tpu.memory_space<hbm>> -> memref<160x32xf32, #tpu.memory_space<hbm>>
        %dma_start3A_51 = arith.constant 0 : i32
        %dma_start3A_52 = arith.constant 0 : i32
        %dma_start3A_53 = tpu.memref_slice %arg3[%add3A, %dma_start3A_51, %dma_start3A_52] : memref<26x160x32xf32, #tpu.memory_space<hbm>> -> memref<1x160x32xf32, #tpu.memory_space<hbm>>
        %dma_start3A_54 = tpu.memref_squeeze %dma_start3A_53 : memref<1x160x32xf32, #tpu.memory_space<hbm>> -> memref<160x32xf32, #tpu.memory_space<hbm>>
        tpu.enqueue_dma source(%dma_start3A_54 : memref<160x32xf32, #tpu.memory_space<hbm>>) target(%arg7 : memref<160x32xf32, #tpu.memory_space<vmem>>) target_semaphore(%run_scoped3A : memref<!tpu.dma_semaphore, #tpu.memory_space<semaphore_mem>>)
        %dma_wait3A_55 = arith.constant 0 : i32
        %dma_wait3A_56 = arith.constant 0 : i32
        %dma_wait3A_57 = tpu.memref_slice %arg3[%add3A, %dma_wait3A_55, %dma_wait3A_56] : memref<26x160x32xf32, #tpu.memory_space<hbm>> -> memref<1x160x32xf32, #tpu.memory_space<hbm>>
        %dma_wait3A_58 = tpu.memref_squeeze %dma_wait3A_57 : memref<1x160x32xf32, #tpu.memory_space<hbm>> -> memref<160x32xf32, #tpu.memory_space<hbm>>
        %dma_wait3A_59 = arith.constant 0 : i32
        %dma_wait3A_60 = arith.constant 0 : i32
        %dma_wait3A_61 = tpu.memref_slice %arg3[%add3A, %dma_wait3A_59, %dma_wait3A_60] : memref<26x160x32xf32, #tpu.memory_space<hbm>> -> memref<1x160x32xf32, #tpu.memory_space<hbm>>
        %dma_wait3A_62 = tpu.memref_squeeze %dma_wait3A_61 : memref<1x160x32xf32, #tpu.memory_space<hbm>> -> memref<160x32xf32, #tpu.memory_space<hbm>>
        tpu.wait_dma2 semaphore(%run_scoped3A : memref<!tpu.dma_semaphore, #tpu.memory_space<semaphore_mem>>) src(%dma_wait3A_62 : memref<160x32xf32, #tpu.memory_space<hbm>>) dst(%arg7 : memref<160x32xf32, #tpu.memory_space<vmem>>)
        tpu.yield
      }) : () -> ()
      %iota3A = tpu.iota {dimensions = array<i32: 0>} : vector<16xi32>
      %mul3A_30 = arith.constant 160 : i32
      %mul3A_31 = vector.broadcast %mul3A_30 : i32 to vector<16xi32>
      %mul3A_32 = arith.muli %iota3A, %mul3A_31 : vector<16xi32>
      %scan3A_33 = arith.constant 0 : i32
      %scan3A_34 = arith.constant 0 : i32
      %scan3A_35 = arith.constant 160 : i32
      %scan3A_36 = arith.addi %scan3A_34, %scan3A_35 : i32
      %scan3A_37 = arith.constant 1 : i32
      %scan3A_38 = scf.for %scan3A_47 = %scan3A_34 to %scan3A_36 step %scan3A_37 iter_args(%scan3A_48 = %scan3A_33) -> (i32)  : i32 {
        %get3A = arith.index_cast %scan3A_47 : i32 to index
        %get3A_49 = arith.constant 0 : index
        %get3A_50 = tpu.vector_load %arg7[%get3A, %get3A_49] {strides = array<i32>} : memref<160x32xf32, #tpu.memory_space<vmem>>, vector<16xf32>,
        %get3A_51 = arith.index_cast %scan3A_47 : i32 to index
        %get3A_52 = arith.constant 16 : index
        %get3A_53 = tpu.vector_load %arg7[%get3A_51, %get3A_52] {strides = array<i32>} : memref<160x32xf32, #tpu.memory_space<vmem>>, vector<16xf32>,
        %add3A_54 = vector.broadcast %scan3A_47 : i32 to vector<16xi32>
        %add3A_55 = arith.addi %mul3A_32, %add3A_54 : vector<16xi32>
        tpu.vector_store_idx %arg8[%add3A_55], %get3A_50 : memref<5120xf32, #tpu.memory_space<vmem>>[vector<16xi32>], vector<16xf32>,
        %add3A_56 = vector.broadcast %scan3A_47 : i32 to vector<16xi32>
        %add3A_57 = arith.addi %mul3A_32, %add3A_56 : vector<16xi32>
        %scatter3A = arith.constant 2560 : i32
        %scatter3A_58 = tpu.memref_slice %arg8[%scatter3A] : memref<5120xf32, #tpu.memory_space<vmem>> -> memref<2560xf32, #tpu.memory_space<vmem>>
        tpu.vector_store_idx %scatter3A_58[%add3A_57], %get3A_53 : memref<2560xf32, #tpu.memory_space<vmem>>[vector<16xi32>], vector<16xf32>,
        %scan3A_59 = arith.constant 0 : i32
        scf.yield %scan3A_59 : i32
      }
      %scan3A_39 = arith.constant 160 : i32
      %scan3A_40 = arith.constant 0 : i32
      %scan3A_41 = arith.constant 0 : i32
      %scan3A_42 = arith.constant 32 : i32
      %scan3A_43 = arith.addi %scan3A_41, %scan3A_42 : i32
      %scan3A_44 = arith.constant 1 : i32
      %scan3A_45 = scf.for %scan3A_47 = %scan3A_41 to %scan3A_43 step %scan3A_44 iter_args(%scan3A_48 = %scan3A_40) -> (i32)  : i32 {
        %mul3A_49 = arith.constant 32 : i32
        %mul3A_50 = arith.muli %add3A, %mul3A_49 : i32
        %add3A_51 = arith.addi %mul3A_50, %scan3A_47 : i32
        %mul3A_52 = arith.constant 100000 : i32
        %mul3A_53 = arith.muli %add3A_51, %mul3A_52 : i32
        %add3A_54 = arith.constant 99840 : i32
        %add3A_55 = arith.addi %mul3A_53, %add3A_54 : i32
        %mul3A_56 = arith.constant 160 : i32
        %mul3A_57 = arith.muli %scan3A_47, %mul3A_56 : i32
        "tpu.region"() ({
          %run_scoped3A = tpu.sem_alloc : memref<!tpu.dma_semaphore, #tpu.memory_space<semaphore_mem>>
          %dma_start3A_59 = tpu.memref_slice %arg8[%mul3A_57] : memref<5120xf32, #tpu.memory_space<vmem>> -> memref<160xf32, #tpu.memory_space<vmem>>
          %dma_start3A_60 = tpu.memref_slice %arg4[%add3A_55] : memref<83200000xf32, #tpu.memory_space<hbm>> -> memref<160xf32, #tpu.memory_space<hbm>>
          %dma_start3A_61 = tpu.memref_slice %arg4[%add3A_55] : memref<83200000xf32, #tpu.memory_space<hbm>> -> memref<160xf32, #tpu.memory_space<hbm>>
          %dma_start3A_62 = tpu.memref_slice %arg8[%mul3A_57] : memref<5120xf32, #tpu.memory_space<vmem>> -> memref<160xf32, #tpu.memory_space<vmem>>
          tpu.enqueue_dma source(%dma_start3A_62 : memref<160xf32, #tpu.memory_space<vmem>>) target(%dma_start3A_61 : memref<160xf32, #tpu.memory_space<hbm>>) target_semaphore(%run_scoped3A : memref<!tpu.dma_semaphore, #tpu.memory_space<semaphore_mem>>)
          %dma_wait3A_63 = tpu.memref_slice %arg8[%mul3A_57] : memref<5120xf32, #tpu.memory_space<vmem>> -> memref<160xf32, #tpu.memory_space<vmem>>
          %dma_wait3A_64 = tpu.memref_slice %arg4[%add3A_55] : memref<83200000xf32, #tpu.memory_space<hbm>> -> memref<160xf32, #tpu.memory_space<hbm>>
          %dma_wait3A_65 = tpu.memref_slice %arg4[%add3A_55] : memref<83200000xf32, #tpu.memory_space<hbm>> -> memref<160xf32, #tpu.memory_space<hbm>>
          %dma_wait3A_66 = tpu.memref_slice %arg8[%mul3A_57] : memref<5120xf32, #tpu.memory_space<vmem>> -> memref<160xf32, #tpu.memory_space<vmem>>
          tpu.wait_dma2 semaphore(%run_scoped3A : memref<!tpu.dma_semaphore, #tpu.memory_space<semaphore_mem>>) src(%dma_wait3A_66 : memref<160xf32, #tpu.memory_space<vmem>>) dst(%dma_wait3A_65 : memref<160xf32, #tpu.memory_space<hbm>>)
          tpu.yield
        }) : () -> ()
        %scan3A_58 = arith.constant 0 : i32
        scf.yield %scan3A_58 : i32
      }
      %scan3A_46 = arith.constant 32 : i32
    } else {
    }
    return
  }
}

#map = affine_map<(d0, d1) -> (0)>
#map1 = affine_map<(d0, d1) -> (0, 0, 0, 0, 0, 0)>
module attributes {stable_mosaic.version = 14 : i64} {
  func.func @_lookup_kernel(%arg0: i32, %arg1: i32, %arg2: memref<2129920xi32, #tpu.memory_space<hbm>>, %arg3: memref<83200000xf32, #tpu.memory_space<hbm>>, %arg4: memref<20x26x4x32x8x128xf32, #tpu.memory_space<hbm>>, %arg5: memref<100000xf32, #tpu.memory_space<vmem>>, %arg6: memref<4096xi32, #tpu.memory_space<vmem>>, %arg7: memref<4096xi32, #tpu.memory_space<vmem>>, %arg8: memref<32x128xf32, #tpu.memory_space<vmem>>, %arg9: memref<32x128xf32, #tpu.memory_space<vmem>>, %arg10: memref<!tpu.dma_semaphore, #tpu.memory_space<semaphore_mem>>, %arg11: memref<!tpu.dma_semaphore, #tpu.memory_space<semaphore_mem>>, %arg12: memref<!tpu.dma_semaphore, #tpu.memory_space<semaphore_mem>>, %arg13: memref<!tpu.dma_semaphore, #tpu.memory_space<semaphore_mem>>) attributes {dimension_semantics = [#tpu.dimension_semantics<core_parallel>, #tpu.dimension_semantics<subcore_parallel>], iteration_bounds = array<i64: 2, 16>, scalar_prefetch = 0 : i64, scratch_operands = 9 : i64, tpu.core_type = #tpu.core_type<sc_vector_subcore>, window_params = [{transform_indices = #map}, {transform_indices = #map}, {transform_indices = #map1}]} {
    %mul3A = arith.constant 2 : i32
    %mul3A_0 = arith.muli %arg1, %mul3A : i32
    %add3A = arith.addi %mul3A_0, %arg0 : i32
    %jit3A = arith.constant 8 : i32
    %div3A = arith.divsi %add3A, %jit3A : i32
    %sign3A = arith.constant 0 : i32
    %sign3A_1 = arith.cmpi sgt, %add3A, %sign3A : i32
    %sign3A_2 = arith.extui %sign3A_1 : i1 to i32
    %sign3A_3 = arith.constant 0 : i32
    %sign3A_4 = arith.cmpi slt, %add3A, %sign3A_3 : i32
    %sign3A_5 = arith.extui %sign3A_4 : i1 to i32
    %sign3A_6 = arith.subi %sign3A_2, %sign3A_5 : i32
    %sign3A_7 = arith.constant 0 : i32
    %sign3A_8 = arith.cmpi sgt, %jit3A, %sign3A_7 : i32
    %sign3A_9 = arith.extui %sign3A_8 : i1 to i32
    %sign3A_10 = arith.constant 0 : i32
    %sign3A_11 = arith.cmpi slt, %jit3A, %sign3A_10 : i32
    %sign3A_12 = arith.extui %sign3A_11 : i1 to i32
    %sign3A_13 = arith.subi %sign3A_9, %sign3A_12 : i32
    %ne3A = arith.cmpi ne, %sign3A_6, %sign3A_13 : i32
    %rem3A = arith.remsi %add3A, %jit3A : i32
    %ne3A_14 = arith.constant 0 : i32
    %ne3A_15 = arith.cmpi ne, %rem3A, %ne3A_14 : i32
    %and3A = arith.andi %ne3A, %ne3A_15 : i1
    %sub3A = arith.constant 1 : i32
    %sub3A_16 = arith.subi %div3A, %sub3A : i32
    %select_n3A = arith.select %and3A, %sub3A_16, %div3A : i32
    %jit3A_17 = arith.constant 8 : i32
    %eq3A = arith.constant 0 : i32
    %eq3A_18 = arith.cmpi eq, %jit3A_17, %eq3A : i32
    %jit3A_19 = arith.constant 1 : i32
    %select_n3A_20 = arith.select %eq3A_18, %jit3A_19, %jit3A_17 : i32
    %rem3A_21 = arith.remsi %add3A, %select_n3A_20 : i32
    %ne3A_22 = arith.constant 0 : i32
    %ne3A_23 = arith.cmpi ne, %rem3A_21, %ne3A_22 : i32
    %lt3A = arith.constant 0 : i32
    %lt3A_24 = arith.cmpi slt, %rem3A_21, %lt3A : i32
    %lt3A_25 = arith.constant 0 : i32
    %lt3A_26 = arith.cmpi slt, %select_n3A_20, %lt3A_25 : i32
    %ne3A_27 = arith.xori %lt3A_24, %lt3A_26 : i1
    %and3A_28 = arith.andi %ne3A_27, %ne3A_23 : i1
    %add3A_29 = arith.addi %rem3A_21, %select_n3A_20 : i32
    %select_n3A_30 = arith.select %and3A_28, %add3A_29, %rem3A_21 : i32
    %scan3A = arith.constant 0 : i32
    %scan3A_31 = arith.constant 0 : i32
    %scan3A_32 = arith.constant 26 : i32
    %scan3A_33 = arith.addi %scan3A_31, %scan3A_32 : i32
    %scan3A_34 = arith.constant 1 : i32
    %scan3A_35 = scf.for %scan3A_37 = %scan3A_31 to %scan3A_33 step %scan3A_34 iter_args(%scan3A_38 = %scan3A) -> (i32)  : i32 {
      %mul3A_39 = arith.constant 32 : i32
      %mul3A_40 = arith.muli %scan3A_37, %mul3A_39 : i32
      %add3A_41 = arith.addi %mul3A_40, %add3A : i32
      %mul3A_42 = arith.constant 100000 : i32
      %mul3A_43 = arith.muli %add3A_41, %mul3A_42 : i32
      "tpu.region"() ({
        %run_scoped3A = tpu.sem_alloc : memref<!tpu.dma_semaphore, #tpu.memory_space<semaphore_mem>>
        %dma_start3A_76 = tpu.memref_slice %arg3[%mul3A_43] : memref<83200000xf32, #tpu.memory_space<hbm>> -> memref<100000xf32, #tpu.memory_space<hbm>>
        %dma_start3A_77 = tpu.memref_slice %arg3[%mul3A_43] : memref<83200000xf32, #tpu.memory_space<hbm>> -> memref<100000xf32, #tpu.memory_space<hbm>>
        tpu.enqueue_dma source(%dma_start3A_77 : memref<100000xf32, #tpu.memory_space<hbm>>) target(%arg5 : memref<100000xf32, #tpu.memory_space<vmem>>) target_semaphore(%run_scoped3A : memref<!tpu.dma_semaphore, #tpu.memory_space<semaphore_mem>>)
        %dma_wait3A_78 = tpu.memref_slice %arg3[%mul3A_43] : memref<83200000xf32, #tpu.memory_space<hbm>> -> memref<100000xf32, #tpu.memory_space<hbm>>
        %dma_wait3A_79 = tpu.memref_slice %arg3[%mul3A_43] : memref<83200000xf32, #tpu.memory_space<hbm>> -> memref<100000xf32, #tpu.memory_space<hbm>>
        tpu.wait_dma2 semaphore(%run_scoped3A : memref<!tpu.dma_semaphore, #tpu.memory_space<semaphore_mem>>) src(%dma_wait3A_79 : memref<100000xf32, #tpu.memory_space<hbm>>) dst(%arg5 : memref<100000xf32, #tpu.memory_space<vmem>>)
        tpu.yield
      }) : () -> ()
      %mul3A_44 = arith.constant 20 : i32
      %mul3A_45 = arith.muli %scan3A_37, %mul3A_44 : i32
      %add3A_46 = arith.constant 0 : i32
      %add3A_47 = arith.addi %mul3A_45, %add3A_46 : i32
      %mul3A_48 = arith.constant 4096 : i32
      %mul3A_49 = arith.muli %add3A_47, %mul3A_48 : i32
      %dma_start3A = tpu.memref_slice %arg2[%mul3A_49] : memref<2129920xi32, #tpu.memory_space<hbm>> -> memref<4096xi32, #tpu.memory_space<hbm>>
      %dma_start3A_50 = tpu.memref_slice %arg2[%mul3A_49] : memref<2129920xi32, #tpu.memory_space<hbm>> -> memref<4096xi32, #tpu.memory_space<hbm>>
      tpu.enqueue_dma source(%dma_start3A_50 : memref<4096xi32, #tpu.memory_space<hbm>>) target(%arg6 : memref<4096xi32, #tpu.memory_space<vmem>>) target_semaphore(%arg10 : memref<!tpu.dma_semaphore, #tpu.memory_space<semaphore_mem>>)
      %scan3A_51 = arith.constant 0 : i32
      %scan3A_52 = arith.constant 0 : i32
      %scan3A_53 = arith.constant 10 : i32
      %scan3A_54 = arith.addi %scan3A_52, %scan3A_53 : i32
      %scan3A_55 = arith.constant 1 : i32
      %scan3A_56 = scf.for %scan3A_76 = %scan3A_52 to %scan3A_54 step %scan3A_55 iter_args(%scan3A_77 = %scan3A_51) -> (i32)  : i32 {
        %mul3A_78 = arith.constant 2 : i32
        %mul3A_79 = arith.muli %scan3A_76, %mul3A_78 : i32
        %add3A_80 = arith.constant 0 : i32
        %add3A_81 = arith.addi %mul3A_79, %add3A_80 : i32
        %add3A_82 = arith.constant 1 : i32
        %add3A_83 = arith.addi %add3A_81, %add3A_82 : i32
        %lt3A_84 = arith.constant 20 : i32
        %lt3A_85 = arith.cmpi slt, %add3A_83, %lt3A_84 : i32
        %convert_element_type3A = arith.extui %lt3A_85 : i1 to i32
        %cond3A = arith.constant 0 : i32
        %cond3A_86 = arith.cmpi ne, %convert_element_type3A, %cond3A : i32
        scf.if %cond3A_86 {
          %add3A_147 = arith.constant 1 : i32
          %add3A_148 = arith.addi %add3A_81, %add3A_147 : i32
          %mul3A_149 = arith.constant 20 : i32
          %mul3A_150 = arith.muli %scan3A_37, %mul3A_149 : i32
          %add3A_151 = arith.addi %mul3A_150, %add3A_148 : i32
          %mul3A_152 = arith.constant 4096 : i32
          %mul3A_153 = arith.muli %add3A_151, %mul3A_152 : i32
          %dma_start3A_154 = tpu.memref_slice %arg2[%mul3A_153] : memref<2129920xi32, #tpu.memory_space<hbm>> -> memref<4096xi32, #tpu.memory_space<hbm>>
          %dma_start3A_155 = tpu.memref_slice %arg2[%mul3A_153] : memref<2129920xi32, #tpu.memory_space<hbm>> -> memref<4096xi32, #tpu.memory_space<hbm>>
          tpu.enqueue_dma source(%dma_start3A_155 : memref<4096xi32, #tpu.memory_space<hbm>>) target(%arg7 : memref<4096xi32, #tpu.memory_space<vmem>>) target_semaphore(%arg11 : memref<!tpu.dma_semaphore, #tpu.memory_space<semaphore_mem>>)
        } else {
        }
        %mul3A_87 = arith.constant 20 : i32
        %mul3A_88 = arith.muli %scan3A_37, %mul3A_87 : i32
        %add3A_89 = arith.addi %mul3A_88, %add3A_81 : i32
        %mul3A_90 = arith.constant 4096 : i32
        %mul3A_91 = arith.muli %add3A_89, %mul3A_90 : i32
        %dma_wait3A_92 = tpu.memref_slice %arg2[%mul3A_91] : memref<2129920xi32, #tpu.memory_space<hbm>> -> memref<4096xi32, #tpu.memory_space<hbm>>
        %dma_wait3A_93 = tpu.memref_slice %arg2[%mul3A_91] : memref<2129920xi32, #tpu.memory_space<hbm>> -> memref<4096xi32, #tpu.memory_space<hbm>>
        tpu.wait_dma2 semaphore(%arg10 : memref<!tpu.dma_semaphore, #tpu.memory_space<semaphore_mem>>) src(%dma_wait3A_93 : memref<4096xi32, #tpu.memory_space<hbm>>) dst(%arg6 : memref<4096xi32, #tpu.memory_space<vmem>>)
        %sub3A_94 = arith.constant 2 : i32
        %sub3A_95 = arith.subi %add3A_81, %sub3A_94 : i32
        %ge3A = arith.constant 0 : i32
        %ge3A_96 = arith.cmpi sge, %sub3A_95, %ge3A : i32
        %convert_element_type3A_97 = arith.extui %ge3A_96 : i1 to i32
        %cond3A_98 = arith.constant 0 : i32
        %cond3A_99 = arith.cmpi ne, %convert_element_type3A_97, %cond3A_98 : i32
        scf.if %cond3A_99 {
          %sub3A_147 = arith.constant 2 : i32
          %sub3A_148 = arith.subi %add3A_81, %sub3A_147 : i32
          %dma_wait3A_149 = arith.constant 0 : i32
          %dma_wait3A_150 = arith.constant 0 : i32
          %dma_wait3A_151 = tpu.memref_slice %arg4[%sub3A_148, %scan3A_37, %select_n3A, %dma_wait3A_149, %select_n3A_30, %dma_wait3A_150] : memref<20x26x4x32x8x128xf32, #tpu.memory_space<hbm>> -> memref<1x1x1x32x1x128xf32, #tpu.memory_space<hbm>>
          %dma_wait3A_152 = tpu.memref_squeeze %dma_wait3A_151 : memref<1x1x1x32x1x128xf32, #tpu.memory_space<hbm>> -> memref<32x128xf32, #tpu.memory_space<hbm>>
          %dma_wait3A_153 = arith.constant 0 : i32
          %dma_wait3A_154 = arith.constant 0 : i32
          %dma_wait3A_155 = tpu.memref_slice %arg4[%sub3A_148, %scan3A_37, %select_n3A, %dma_wait3A_153, %select_n3A_30, %dma_wait3A_154] : memref<20x26x4x32x8x128xf32, #tpu.memory_space<hbm>> -> memref<1x1x1x32x1x128xf32, #tpu.memory_space<hbm>>
          %dma_wait3A_156 = tpu.memref_squeeze %dma_wait3A_155 : memref<1x1x1x32x1x128xf32, #tpu.memory_space<hbm>> -> memref<32x128xf32, #tpu.memory_space<hbm>>
          tpu.wait_dma2 semaphore(%arg12 : memref<!tpu.dma_semaphore, #tpu.memory_space<semaphore_mem>>) src(%arg8 : memref<32x128xf32, #tpu.memory_space<vmem>>) dst(%dma_wait3A_156 : memref<32x128xf32, #tpu.memory_space<hbm>>)
        } else {
        }
        %parallel_loop3A = arith.constant 0 : i32
        %parallel_loop3A_100 = arith.constant 256 : i32
        %parallel_loop3A_101 = arith.constant 1 : i32
        scf.for %parallel_loop3A_147 = %parallel_loop3A to %parallel_loop3A_100 step %parallel_loop3A_101  : i32 {
          %parallel_loop3A_148 = arith.constant 16 : i32
          %parallel_loop3A_149 = arith.muli %parallel_loop3A_147, %parallel_loop3A_148 : i32
          %parallel_loop3A_150 = arith.index_cast %parallel_loop3A_149 : i32 to index
          %parallel_loop3A_151 = tpu.vector_load %arg6[%parallel_loop3A_150] {strides = array<i32>} : memref<4096xi32, #tpu.memory_space<vmem>>, vector<16xi32>,
          %parallel_loop3A_152 = tpu.vector_load_idx %arg5[%parallel_loop3A_151] : memref<100000xf32, #tpu.memory_space<vmem>>[vector<16xi32>], vector<16xf32>,
          %parallel_loop3A_153 = arith.constant 8 : i32
          %parallel_loop3A_154 = arith.divsi %parallel_loop3A_147, %parallel_loop3A_153 : i32
          %parallel_loop3A_155 = arith.constant 0 : i32
          %parallel_loop3A_156 = arith.cmpi sgt, %parallel_loop3A_147, %parallel_loop3A_155 : i32
          %parallel_loop3A_157 = arith.extui %parallel_loop3A_156 : i1 to i32
          %parallel_loop3A_158 = arith.constant 0 : i32
          %parallel_loop3A_159 = arith.cmpi slt, %parallel_loop3A_147, %parallel_loop3A_158 : i32
          %parallel_loop3A_160 = arith.extui %parallel_loop3A_159 : i1 to i32
          %parallel_loop3A_161 = arith.subi %parallel_loop3A_157, %parallel_loop3A_160 : i32
          %parallel_loop3A_162 = arith.constant 0 : i32
          %parallel_loop3A_163 = arith.cmpi sgt, %parallel_loop3A_153, %parallel_loop3A_162 : i32
          %parallel_loop3A_164 = arith.extui %parallel_loop3A_163 : i1 to i32
          %parallel_loop3A_165 = arith.constant 0 : i32
          %parallel_loop3A_166 = arith.cmpi slt, %parallel_loop3A_153, %parallel_loop3A_165 : i32
          %parallel_loop3A_167 = arith.extui %parallel_loop3A_166 : i1 to i32
          %parallel_loop3A_168 = arith.subi %parallel_loop3A_164, %parallel_loop3A_167 : i32
          %parallel_loop3A_169 = arith.cmpi ne, %parallel_loop3A_161, %parallel_loop3A_168 : i32
          %parallel_loop3A_170 = arith.remsi %parallel_loop3A_147, %parallel_loop3A_153 : i32
          %parallel_loop3A_171 = arith.constant 0 : i32
          %parallel_loop3A_172 = arith.cmpi ne, %parallel_loop3A_170, %parallel_loop3A_171 : i32
          %parallel_loop3A_173 = arith.andi %parallel_loop3A_169, %parallel_loop3A_172 : i1
          %parallel_loop3A_174 = arith.constant 1 : i32
          %parallel_loop3A_175 = arith.subi %parallel_loop3A_154, %parallel_loop3A_174 : i32
          %parallel_loop3A_176 = arith.select %parallel_loop3A_173, %parallel_loop3A_175, %parallel_loop3A_154 : i32
          %parallel_loop3A_177 = arith.constant 8 : i32
          %parallel_loop3A_178 = arith.constant 0 : i32
          %parallel_loop3A_179 = arith.cmpi eq, %parallel_loop3A_177, %parallel_loop3A_178 : i32
          %parallel_loop3A_180 = arith.constant 1 : i32
          %parallel_loop3A_181 = arith.select %parallel_loop3A_179, %parallel_loop3A_180, %parallel_loop3A_177 : i32
          %parallel_loop3A_182 = arith.remsi %parallel_loop3A_147, %parallel_loop3A_181 : i32
          %parallel_loop3A_183 = arith.constant 0 : i32
          %parallel_loop3A_184 = arith.cmpi ne, %parallel_loop3A_182, %parallel_loop3A_183 : i32
          %parallel_loop3A_185 = arith.constant 0 : i32
          %parallel_loop3A_186 = arith.cmpi slt, %parallel_loop3A_182, %parallel_loop3A_185 : i32
          %parallel_loop3A_187 = arith.constant 0 : i32
          %parallel_loop3A_188 = arith.cmpi slt, %parallel_loop3A_181, %parallel_loop3A_187 : i32
          %parallel_loop3A_189 = arith.xori %parallel_loop3A_186, %parallel_loop3A_188 : i1
          %parallel_loop3A_190 = arith.andi %parallel_loop3A_189, %parallel_loop3A_184 : i1
          %parallel_loop3A_191 = arith.addi %parallel_loop3A_182, %parallel_loop3A_181 : i32
          %parallel_loop3A_192 = arith.select %parallel_loop3A_190, %parallel_loop3A_191, %parallel_loop3A_182 : i32
          %parallel_loop3A_193 = arith.constant 16 : i32
          %parallel_loop3A_194 = arith.muli %parallel_loop3A_192, %parallel_loop3A_193 : i32
          %parallel_loop3A_195 = arith.index_cast %parallel_loop3A_176 : i32 to index
          %parallel_loop3A_196 = arith.index_cast %parallel_loop3A_194 : i32 to index
          %parallel_loop3A_197 = tpu.vector_load %arg8[%parallel_loop3A_195, %parallel_loop3A_196] {strides = array<i32>} : memref<32x128xf32, #tpu.memory_space<vmem>>, vector<16xf32>,
          tpu.vector_store %arg8[%parallel_loop3A_195, %parallel_loop3A_196], %parallel_loop3A_152 {strides = array<i32>} : memref<32x128xf32, #tpu.memory_space<vmem>>, vector<16xf32>,
        } {sc.loop_unroll_factor = 16 : i64, sc.parallel_access}
        %dma_start3A_102 = arith.constant 0 : i32
        %dma_start3A_103 = arith.constant 0 : i32
        %dma_start3A_104 = tpu.memref_slice %arg4[%add3A_81, %scan3A_37, %select_n3A, %dma_start3A_102, %select_n3A_30, %dma_start3A_103] : memref<20x26x4x32x8x128xf32, #tpu.memory_space<hbm>> -> memref<1x1x1x32x1x128xf32, #tpu.memory_space<hbm>>
        %dma_start3A_105 = tpu.memref_squeeze %dma_start3A_104 : memref<1x1x1x32x1x128xf32, #tpu.memory_space<hbm>> -> memref<32x128xf32, #tpu.memory_space<hbm>>
        %dma_start3A_106 = arith.constant 0 : i32
        %dma_start3A_107 = arith.constant 0 : i32
        %dma_start3A_108 = tpu.memref_slice %arg4[%add3A_81, %scan3A_37, %select_n3A, %dma_start3A_106, %select_n3A_30, %dma_start3A_107] : memref<20x26x4x32x8x128xf32, #tpu.memory_space<hbm>> -> memref<1x1x1x32x1x128xf32, #tpu.memory_space<hbm>>
        %dma_start3A_109 = tpu.memref_squeeze %dma_start3A_108 : memref<1x1x1x32x1x128xf32, #tpu.memory_space<hbm>> -> memref<32x128xf32, #tpu.memory_space<hbm>>
        tpu.enqueue_dma source(%arg8 : memref<32x128xf32, #tpu.memory_space<vmem>>) target(%dma_start3A_109 : memref<32x128xf32, #tpu.memory_space<hbm>>) target_semaphore(%arg12 : memref<!tpu.dma_semaphore, #tpu.memory_space<semaphore_mem>>)
        %mul3A_110 = arith.constant 2 : i32
        %mul3A_111 = arith.muli %scan3A_76, %mul3A_110 : i32
        %add3A_112 = arith.constant 1 : i32
        %add3A_113 = arith.addi %mul3A_111, %add3A_112 : i32
        %add3A_114 = arith.constant 1 : i32
        %add3A_115 = arith.addi %add3A_113, %add3A_114 : i32
        %lt3A_116 = arith.constant 20 : i32
        %lt3A_117 = arith.cmpi slt, %add3A_115, %lt3A_116 : i32
        %convert_element_type3A_118 = arith.extui %lt3A_117 : i1 to i32
        %cond3A_119 = arith.constant 0 : i32
        %cond3A_120 = arith.cmpi ne, %convert_element_type3A_118, %cond3A_119 : i32
        scf.if %cond3A_120 {
          %add3A_147 = arith.constant 1 : i32
          %add3A_148 = arith.addi %add3A_113, %add3A_147 : i32
          %mul3A_149 = arith.constant 20 : i32
          %mul3A_150 = arith.muli %scan3A_37, %mul3A_149 : i32
          %add3A_151 = arith.addi %mul3A_150, %add3A_148 : i32
          %mul3A_152 = arith.constant 4096 : i32
          %mul3A_153 = arith.muli %add3A_151, %mul3A_152 : i32
          %dma_start3A_154 = tpu.memref_slice %arg2[%mul3A_153] : memref<2129920xi32, #tpu.memory_space<hbm>> -> memref<4096xi32, #tpu.memory_space<hbm>>
          %dma_start3A_155 = tpu.memref_slice %arg2[%mul3A_153] : memref<2129920xi32, #tpu.memory_space<hbm>> -> memref<4096xi32, #tpu.memory_space<hbm>>
          tpu.enqueue_dma source(%dma_start3A_155 : memref<4096xi32, #tpu.memory_space<hbm>>) target(%arg6 : memref<4096xi32, #tpu.memory_space<vmem>>) target_semaphore(%arg10 : memref<!tpu.dma_semaphore, #tpu.memory_space<semaphore_mem>>)
        } else {
        }
        %mul3A_121 = arith.constant 20 : i32
        %mul3A_122 = arith.muli %scan3A_37, %mul3A_121 : i32
        %add3A_123 = arith.addi %mul3A_122, %add3A_113 : i32
        %mul3A_124 = arith.constant 4096 : i32
        %mul3A_125 = arith.muli %add3A_123, %mul3A_124 : i32
        %dma_wait3A_126 = tpu.memref_slice %arg2[%mul3A_125] : memref<2129920xi32, #tpu.memory_space<hbm>> -> memref<4096xi32, #tpu.memory_space<hbm>>
        %dma_wait3A_127 = tpu.memref_slice %arg2[%mul3A_125] : memref<2129920xi32, #tpu.memory_space<hbm>> -> memref<4096xi32, #tpu.memory_space<hbm>>
        tpu.wait_dma2 semaphore(%arg11 : memref<!tpu.dma_semaphore, #tpu.memory_space<semaphore_mem>>) src(%dma_wait3A_127 : memref<4096xi32, #tpu.memory_space<hbm>>) dst(%arg7 : memref<4096xi32, #tpu.memory_space<vmem>>)
        %sub3A_128 = arith.constant 2 : i32
        %sub3A_129 = arith.subi %add3A_113, %sub3A_128 : i32
        %ge3A_130 = arith.constant 0 : i32
        %ge3A_131 = arith.cmpi sge, %sub3A_129, %ge3A_130 : i32
        %convert_element_type3A_132 = arith.extui %ge3A_131 : i1 to i32
        %cond3A_133 = arith.constant 0 : i32
        %cond3A_134 = arith.cmpi ne, %convert_element_type3A_132, %cond3A_133 : i32
        scf.if %cond3A_134 {
          %sub3A_147 = arith.constant 2 : i32
          %sub3A_148 = arith.subi %add3A_113, %sub3A_147 : i32
          %dma_wait3A_149 = arith.constant 0 : i32
          %dma_wait3A_150 = arith.constant 0 : i32
          %dma_wait3A_151 = tpu.memref_slice %arg4[%sub3A_148, %scan3A_37, %select_n3A, %dma_wait3A_149, %select_n3A_30, %dma_wait3A_150] : memref<20x26x4x32x8x128xf32, #tpu.memory_space<hbm>> -> memref<1x1x1x32x1x128xf32, #tpu.memory_space<hbm>>
          %dma_wait3A_152 = tpu.memref_squeeze %dma_wait3A_151 : memref<1x1x1x32x1x128xf32, #tpu.memory_space<hbm>> -> memref<32x128xf32, #tpu.memory_space<hbm>>
          %dma_wait3A_153 = arith.constant 0 : i32
          %dma_wait3A_154 = arith.constant 0 : i32
          %dma_wait3A_155 = tpu.memref_slice %arg4[%sub3A_148, %scan3A_37, %select_n3A, %dma_wait3A_153, %select_n3A_30, %dma_wait3A_154] : memref<20x26x4x32x8x128xf32, #tpu.memory_space<hbm>> -> memref<1x1x1x32x1x128xf32, #tpu.memory_space<hbm>>
          %dma_wait3A_156 = tpu.memref_squeeze %dma_wait3A_155 : memref<1x1x1x32x1x128xf32, #tpu.memory_space<hbm>> -> memref<32x128xf32, #tpu.memory_space<hbm>>
          tpu.wait_dma2 semaphore(%arg13 : memref<!tpu.dma_semaphore, #tpu.memory_space<semaphore_mem>>) src(%arg9 : memref<32x128xf32, #tpu.memory_space<vmem>>) dst(%dma_wait3A_156 : memref<32x128xf32, #tpu.memory_space<hbm>>)
        } else {
        }
        %parallel_loop3A_135 = arith.constant 0 : i32
        %parallel_loop3A_136 = arith.constant 256 : i32
        %parallel_loop3A_137 = arith.constant 1 : i32
        scf.for %parallel_loop3A_147 = %parallel_loop3A_135 to %parallel_loop3A_136 step %parallel_loop3A_137  : i32 {
          %parallel_loop3A_148 = arith.constant 16 : i32
          %parallel_loop3A_149 = arith.muli %parallel_loop3A_147, %parallel_loop3A_148 : i32
          %parallel_loop3A_150 = arith.index_cast %parallel_loop3A_149 : i32 to index
          %parallel_loop3A_151 = tpu.vector_load %arg7[%parallel_loop3A_150] {strides = array<i32>} : memref<4096xi32, #tpu.memory_space<vmem>>, vector<16xi32>,
          %parallel_loop3A_152 = tpu.vector_load_idx %arg5[%parallel_loop3A_151] : memref<100000xf32, #tpu.memory_space<vmem>>[vector<16xi32>], vector<16xf32>,
          %parallel_loop3A_153 = arith.constant 8 : i32
          %parallel_loop3A_154 = arith.divsi %parallel_loop3A_147, %parallel_loop3A_153 : i32
          %parallel_loop3A_155 = arith.constant 0 : i32
          %parallel_loop3A_156 = arith.cmpi sgt, %parallel_loop3A_147, %parallel_loop3A_155 : i32
          %parallel_loop3A_157 = arith.extui %parallel_loop3A_156 : i1 to i32
          %parallel_loop3A_158 = arith.constant 0 : i32
          %parallel_loop3A_159 = arith.cmpi slt, %parallel_loop3A_147, %parallel_loop3A_158 : i32
          %parallel_loop3A_160 = arith.extui %parallel_loop3A_159 : i1 to i32
          %parallel_loop3A_161 = arith.subi %parallel_loop3A_157, %parallel_loop3A_160 : i32
          %parallel_loop3A_162 = arith.constant 0 : i32
          %parallel_loop3A_163 = arith.cmpi sgt, %parallel_loop3A_153, %parallel_loop3A_162 : i32
          %parallel_loop3A_164 = arith.extui %parallel_loop3A_163 : i1 to i32
          %parallel_loop3A_165 = arith.constant 0 : i32
          %parallel_loop3A_166 = arith.cmpi slt, %parallel_loop3A_153, %parallel_loop3A_165 : i32
          %parallel_loop3A_167 = arith.extui %parallel_loop3A_166 : i1 to i32
          %parallel_loop3A_168 = arith.subi %parallel_loop3A_164, %parallel_loop3A_167 : i32
          %parallel_loop3A_169 = arith.cmpi ne, %parallel_loop3A_161, %parallel_loop3A_168 : i32
          %parallel_loop3A_170 = arith.remsi %parallel_loop3A_147, %parallel_loop3A_153 : i32
          %parallel_loop3A_171 = arith.constant 0 : i32
          %parallel_loop3A_172 = arith.cmpi ne, %parallel_loop3A_170, %parallel_loop3A_171 : i32
          %parallel_loop3A_173 = arith.andi %parallel_loop3A_169, %parallel_loop3A_172 : i1
          %parallel_loop3A_174 = arith.constant 1 : i32
          %parallel_loop3A_175 = arith.subi %parallel_loop3A_154, %parallel_loop3A_174 : i32
          %parallel_loop3A_176 = arith.select %parallel_loop3A_173, %parallel_loop3A_175, %parallel_loop3A_154 : i32
          %parallel_loop3A_177 = arith.constant 8 : i32
          %parallel_loop3A_178 = arith.constant 0 : i32
          %parallel_loop3A_179 = arith.cmpi eq, %parallel_loop3A_177, %parallel_loop3A_178 : i32
          %parallel_loop3A_180 = arith.constant 1 : i32
          %parallel_loop3A_181 = arith.select %parallel_loop3A_179, %parallel_loop3A_180, %parallel_loop3A_177 : i32
          %parallel_loop3A_182 = arith.remsi %parallel_loop3A_147, %parallel_loop3A_181 : i32
          %parallel_loop3A_183 = arith.constant 0 : i32
          %parallel_loop3A_184 = arith.cmpi ne, %parallel_loop3A_182, %parallel_loop3A_183 : i32
          %parallel_loop3A_185 = arith.constant 0 : i32
          %parallel_loop3A_186 = arith.cmpi slt, %parallel_loop3A_182, %parallel_loop3A_185 : i32
          %parallel_loop3A_187 = arith.constant 0 : i32
          %parallel_loop3A_188 = arith.cmpi slt, %parallel_loop3A_181, %parallel_loop3A_187 : i32
          %parallel_loop3A_189 = arith.xori %parallel_loop3A_186, %parallel_loop3A_188 : i1
          %parallel_loop3A_190 = arith.andi %parallel_loop3A_189, %parallel_loop3A_184 : i1
          %parallel_loop3A_191 = arith.addi %parallel_loop3A_182, %parallel_loop3A_181 : i32
          %parallel_loop3A_192 = arith.select %parallel_loop3A_190, %parallel_loop3A_191, %parallel_loop3A_182 : i32
          %parallel_loop3A_193 = arith.constant 16 : i32
          %parallel_loop3A_194 = arith.muli %parallel_loop3A_192, %parallel_loop3A_193 : i32
          %parallel_loop3A_195 = arith.index_cast %parallel_loop3A_176 : i32 to index
          %parallel_loop3A_196 = arith.index_cast %parallel_loop3A_194 : i32 to index
          %parallel_loop3A_197 = tpu.vector_load %arg9[%parallel_loop3A_195, %parallel_loop3A_196] {strides = array<i32>} : memref<32x128xf32, #tpu.memory_space<vmem>>, vector<16xf32>,
          tpu.vector_store %arg9[%parallel_loop3A_195, %parallel_loop3A_196], %parallel_loop3A_152 {strides = array<i32>} : memref<32x128xf32, #tpu.memory_space<vmem>>, vector<16xf32>,
        } {sc.loop_unroll_factor = 16 : i64, sc.parallel_access}
        %dma_start3A_138 = arith.constant 0 : i32
        %dma_start3A_139 = arith.constant 0 : i32
        %dma_start3A_140 = tpu.memref_slice %arg4[%add3A_113, %scan3A_37, %select_n3A, %dma_start3A_138, %select_n3A_30, %dma_start3A_139] : memref<20x26x4x32x8x128xf32, #tpu.memory_space<hbm>> -> memref<1x1x1x32x1x128xf32, #tpu.memory_space<hbm>>
        %dma_start3A_141 = tpu.memref_squeeze %dma_start3A_140 : memref<1x1x1x32x1x128xf32, #tpu.memory_space<hbm>> -> memref<32x128xf32, #tpu.memory_space<hbm>>
        %dma_start3A_142 = arith.constant 0 : i32
        %dma_start3A_143 = arith.constant 0 : i32
        %dma_start3A_144 = tpu.memref_slice %arg4[%add3A_113, %scan3A_37, %select_n3A, %dma_start3A_142, %select_n3A_30, %dma_start3A_143] : memref<20x26x4x32x8x128xf32, #tpu.memory_space<hbm>> -> memref<1x1x1x32x1x128xf32, #tpu.memory_space<hbm>>
        %dma_start3A_145 = tpu.memref_squeeze %dma_start3A_144 : memref<1x1x1x32x1x128xf32, #tpu.memory_space<hbm>> -> memref<32x128xf32, #tpu.memory_space<hbm>>
        tpu.enqueue_dma source(%arg9 : memref<32x128xf32, #tpu.memory_space<vmem>>) target(%dma_start3A_145 : memref<32x128xf32, #tpu.memory_space<hbm>>) target_semaphore(%arg13 : memref<!tpu.dma_semaphore, #tpu.memory_space<semaphore_mem>>)
        %scan3A_146 = arith.constant 0 : i32
        scf.yield %scan3A_146 : i32
      }
      %scan3A_57 = arith.constant 10 : i32
      %dma_wait3A = arith.constant 18 : i32
      %dma_wait3A_58 = arith.constant 0 : i32
      %dma_wait3A_59 = arith.constant 0 : i32
      %dma_wait3A_60 = tpu.memref_slice %arg4[%dma_wait3A, %scan3A_37, %select_n3A, %dma_wait3A_58, %select_n3A_30, %dma_wait3A_59] : memref<20x26x4x32x8x128xf32, #tpu.memory_space<hbm>> -> memref<1x1x1x32x1x128xf32, #tpu.memory_space<hbm>>
      %dma_wait3A_61 = tpu.memref_squeeze %dma_wait3A_60 : memref<1x1x1x32x1x128xf32, #tpu.memory_space<hbm>> -> memref<32x128xf32, #tpu.memory_space<hbm>>
      %dma_wait3A_62 = arith.constant 0 : i32
      %dma_wait3A_63 = arith.constant 0 : i32
      %dma_wait3A_64 = tpu.memref_slice %arg4[%dma_wait3A, %scan3A_37, %select_n3A, %dma_wait3A_62, %select_n3A_30, %dma_wait3A_63] : memref<20x26x4x32x8x128xf32, #tpu.memory_space<hbm>> -> memref<1x1x1x32x1x128xf32, #tpu.memory_space<hbm>>
      %dma_wait3A_65 = tpu.memref_squeeze %dma_wait3A_64 : memref<1x1x1x32x1x128xf32, #tpu.memory_space<hbm>> -> memref<32x128xf32, #tpu.memory_space<hbm>>
      tpu.wait_dma2 semaphore(%arg12 : memref<!tpu.dma_semaphore, #tpu.memory_space<semaphore_mem>>) src(%arg8 : memref<32x128xf32, #tpu.memory_space<vmem>>) dst(%dma_wait3A_65 : memref<32x128xf32, #tpu.memory_space<hbm>>)
      %dma_wait3A_66 = arith.constant 19 : i32
      %dma_wait3A_67 = arith.constant 0 : i32
      %dma_wait3A_68 = arith.constant 0 : i32
      %dma_wait3A_69 = tpu.memref_slice %arg4[%dma_wait3A_66, %scan3A_37, %select_n3A, %dma_wait3A_67, %select_n3A_30, %dma_wait3A_68] : memref<20x26x4x32x8x128xf32, #tpu.memory_space<hbm>> -> memref<1x1x1x32x1x128xf32, #tpu.memory_space<hbm>>
      %dma_wait3A_70 = tpu.memref_squeeze %dma_wait3A_69 : memref<1x1x1x32x1x128xf32, #tpu.memory_space<hbm>> -> memref<32x128xf32, #tpu.memory_space<hbm>>
      %dma_wait3A_71 = arith.constant 0 : i32
      %dma_wait3A_72 = arith.constant 0 : i32
      %dma_wait3A_73 = tpu.memref_slice %arg4[%dma_wait3A_66, %scan3A_37, %select_n3A, %dma_wait3A_71, %select_n3A_30, %dma_wait3A_72] : memref<20x26x4x32x8x128xf32, #tpu.memory_space<hbm>> -> memref<1x1x1x32x1x128xf32, #tpu.memory_space<hbm>>
      %dma_wait3A_74 = tpu.memref_squeeze %dma_wait3A_73 : memref<1x1x1x32x1x128xf32, #tpu.memory_space<hbm>> -> memref<32x128xf32, #tpu.memory_space<hbm>>
      tpu.wait_dma2 semaphore(%arg13 : memref<!tpu.dma_semaphore, #tpu.memory_space<semaphore_mem>>) src(%arg9 : memref<32x128xf32, #tpu.memory_space<vmem>>) dst(%dma_wait3A_74 : memref<32x128xf32, #tpu.memory_space<hbm>>)
      %scan3A_75 = arith.constant 0 : i32
      scf.yield %scan3A_75 : i32
    }
    %scan3A_36 = arith.constant 26 : i32
    return
  }
}

</mosaic_0001>

<sc_bundles>
// kernel: kernel.4.cloned.1.call-start
scs
__scs_entry_jumppad:
0x0: {  	(pc) =	sbr.rel $0x88, $3  }
0x1: {  	(tag) =	ssettag $0x0;
	lr =	simm.s32 $0x1  }
0x2: {  	[smem:$0x3F9F] =	sst lr;
	_ =	strace $0xD0000000  }
0x3: {  	_ = 	snop  }
0x4: {  	_ = 	snop  }
0x5: {  	_ = 	snop  }
0x6: {  	_ = 	snop  }
0x7: {  	_ = 	snop  }
__scs_overlays_trampoline_lowered:
0x8: {  	[smem:$0x3FAE] =	sst s0  }
0x9: {  	[smem:$0x3FAF] =	sst s1  }
0xa: {  	[smem:$0x3FB0] =	sst s2  }
0xb: {  	[smem:$0x3FB1] =	sst s3  }
0xc: {  	[smem:$0x3FB2] =	sst s4  }
0xd: {  	[smem:$0x3FB3] =	sst s5  }
0xe: {  	[smem:$0x3FB4] =	sst s6  }
0xf: {  	[smem:$0x3FB5] =	sst s7  }
0x10: {  	[smem:$0x3FB6] =	sst s8  }
0x11: {  	[smem:$0x3FB7] =	sst s9;
	s0 =	simm.s32 @!p0 $0x0  }
0x12: {  	s1 =	sld [smem:$0x3F9D];
	s0 =	simm.s32 @p0 $0x1  }
0x13: {  	[smem:$0x3FB8] =	sst s0;
	s0 =	simm.s32 @!p1 $0x0  }
0x14: {  	s2 =	sld [smem:$0x3F9C];
	s0 =	simm.s32 @p1 $0x1  }
0x15: {  	[smem:$0x3FB9] =	sst s0;
	s0 =	simm.s32 @!p2 $0x0  }
0x16: {  	s3 =	sld [smem:$0x3FDB];
	s0 =	simm.s32 @p2 $0x1  }
0x17: {  	s4 =	simm.s32 $0x1BF5;
	[smem:$0x3FBB] =	sst s0  }
0x18: {  	s0 =	sld [smem:$0x3F9E];
	_ =	swait.ge [sflag:s4], $0x0  }
0x19: {  	s7 =	sld [smem:$0x3F9F]  }
0x1a: {  	s8 =	sadd.s32 $0xFFFFE003, lr  }
0x1b: {  	s9 =	sadd.s32 $0xFFFFFEF7, lr;
	s5 =	simm.s32 $0xFFFFFFFF;
	p2 =	slt.u32 s8, $0xFFFFF086  }
0x1c: {  	p1 =	slt.u32 s9, $0xF7A;
	s5 =	simm.s32 @!p2 $0x0  }
0x1d: {  	s5 =	simm.s32 @p1 $0x1;
	p0 =	seq.s32 s7, s2  }
0x1e: {  	s7 =	smul.u32 @!p0 $0xF7A, s2;
	p2 =	seq.s32 @!p0 s5, $0x0  }
0x1f: {  	s9 =	smul.u32 $0xF7A, s1;
	s8 =	simm.s32 @!p0 $0x1BF5;
	p2 =	por !p2, p0  }
0x20: {  	[sflag:s8] =	ssyncset.s32 @!p0 $0xFFFFF086;
	s6 =	sadd.s32 @!p0 s3, s7;
	s7 =	simm.s32 @!p0 $0x108  }
0x21: {  	s3 =	sadd.s32 s3, s9;
	s6 =	sadd.s32 @!p0 $0x88, s6;
	s7 =	simm.s32 @p2 $0x1082  }
0x22: {  	[simem:s7], [sflag:s8] =	dma.local @!p0 [hbm:s6], $0xF7A  }
0x23: {  	s9 =	sor.u32 $0xD0000000, s2;
	s6 =	simm.s32 $0x108;
	_ =	swait.ge @!p0 [sflag:s8], $0x0  }
0x24: {  	s3 =	sadd.s32 $0x88, s3;
	s6 =	simm.s32 @!p1 $0x1082;
	[sflag:s4] =	ssyncset.s32 $0xFFFFF086  }
0x25: {  	[simem:s6], [sflag:s4] =	dma.local [hbm:s3], $0xF7A  }
0x26: {  	[smem:$0x3F9F] =	sst s1;
	(tag) =	ssettag s2;
	_ =	strace s9  }
0x27: {  	s1 =	sld [smem:$0x3FAF]  }
0x28: {  	s2 =	sld [smem:$0x3FB0]  }
0x29: {  	s4 =	sld [smem:$0x3FB2]  }
0x2a: {  	p0 =	seq.s32 s5, $0x0;
	s5 =	sld [smem:$0x3FB3]  }
0x2b: {  	s6 =	sld [smem:$0x3FB4]  }
0x2c: {  	s7 =	sld [smem:$0x3FB5]  }
0x2d: {  	s3 =	simm.s32 $0x108;
	s8 =	sld [smem:$0x3FB6]  }
0x2e: {  	s3 =	simm.s32 @!p0 $0x1082;
	s9 =	sld [smem:$0x3FB7]  }
0x2f: {  	lr =	sadd.s32 s0, s3;
	s0 =	sld [smem:$0x3FAE]  }
0x30: {  	s3 =	sld [smem:$0x3FB1]  }
0x31: {  	[smem:$0x3FBA] =	sst s10  }
0x32: {  	s10 =	sld [smem:$0x3FB8];
	_ =	sdelay $0x3  }
0x33: {  	p0 =	seq.s32 s10, $0x1;
	s10 =	sld [smem:$0x3FBA];
	_ =	sdelay $0x3  }
0x34: {  	[smem:$0x3FBA] =	sst s10  }
0x35: {  	s10 =	sld [smem:$0x3FB9];
	_ =	sdelay $0x3  }
0x36: {  	p1 =	seq.s32 s10, $0x1;
	s10 =	sld [smem:$0x3FBA];
	_ =	sdelay $0x3  }
0x37: {  	[smem:$0x3FBA] =	sst s10  }
0x38: {  	s10 =	sld [smem:$0x3FBB]  }
0x39: {  	_ = 	snop;
	(pc) =	sbr.ind lr, $3  }
0x3a: {  	_ = 	snop  }
0x3b: {  	_ = 	snop  }
0x3c: {  	p2 =	seq.s32 s10, $0x1;
	s10 =	sld [smem:$0x3FBA]  }
0x3d: {  	_ =	shalt  }
0x3e: {  	_ =	shalt  }
0x3f: {  	_ =	shalt  }
0x40: {  	_ =	shalt  }
0x41: {  	_ =	shalt  }
0x42: {  	_ =	shalt  }
0x43: {  	_ =	shalt  }
0x44: {  	_ =	shalt  }
0x45: {  	_ =	shalt  }
0x46: {  	_ =	shalt  }
0x47: {  	_ =	shalt  }
0x48: {  	_ =	shalt  }
0x49: {  	_ =	shalt  }
0x4a: {  	_ =	shalt  }
0x4b: {  	_ =	shalt  }
0x4c: {  	_ =	shalt  }
0x4d: {  	_ =	shalt  }
0x4e: {  	_ =	shalt  }
0x4f: {  	_ =	shalt  }
0x50: {  	_ =	shalt  }
0x51: {  	_ =	shalt  }
0x52: {  	_ =	shalt  }
0x53: {  	_ =	shalt  }
0x54: {  	_ =	shalt  }
0x55: {  	_ =	shalt  }
0x56: {  	_ =	shalt  }
0x57: {  	_ =	shalt  }
0x58: {  	_ =	shalt  }
0x59: {  	_ =	shalt  }
0x5a: {  	_ =	shalt  }
0x5b: {  	_ =	shalt  }
0x5c: {  	_ =	shalt  }
0x5d: {  	_ =	shalt  }
0x5e: {  	_ =	shalt  }
0x5f: {  	_ =	shalt  }
0x60: {  	_ =	shalt  }
0x61: {  	_ =	shalt  }
0x62: {  	_ =	shalt  }
0x63: {  	_ =	shalt  }
0x64: {  	_ =	shalt  }
0x65: {  	_ =	shalt  }
0x66: {  	_ =	shalt  }
0x67: {  	_ =	shalt  }
0x68: {  	_ =	shalt  }
0x69: {  	_ =	shalt  }
0x6a: {  	_ =	shalt  }
0x6b: {  	_ =	shalt  }
0x6c: {  	_ =	shalt  }
0x6d: {  	_ =	shalt  }
0x6e: {  	_ =	shalt  }
0x6f: {  	_ =	shalt  }
0x70: {  	_ =	shalt  }
0x71: {  	_ =	shalt  }
0x72: {  	_ =	shalt  }
0x73: {  	_ =	shalt  }
0x74: {  	_ =	shalt  }
0x75: {  	_ =	shalt  }
0x76: {  	_ =	shalt  }
0x77: {  	_ =	shalt  }
0x78: {  	_ =	shalt  }
0x79: {  	_ =	shalt  }
0x7a: {  	_ =	shalt  }
0x7b: {  	_ =	shalt  }
0x7c: {  	_ =	shalt  }
0x7d: {  	_ =	shalt  }
0x7e: {  	_ =	shalt  }
0x7f: {  	_ =	shalt  }
0x80: {  	_ =	shalt  }
0x81: {  	_ =	shalt  }
0x82: {  	_ =	shalt  }
0x83: {  	_ =	shalt  }
0x84: {  	_ =	shalt  }
0x85: {  	_ =	shalt  }
0x86: {  	_ =	shalt  }
0x87: {  	_ =	shalt  }
.Lfunc_end0:
.L_simem_size_0:
called_computation_lowered:
.L_overlay_start_0:
0x88: {  	s2 =	sld [smem:$0x3FD9]  }
0x89: {  	s3 =	sld [smem:$0x3FFE];
	_ =	sdelay $0x1  }
0x8a: {  	s1 =	srdreg.scid  }
0x8b: {  	s0 =	sand.u32 $0x1, s1  }
0x8c: {  	s17 =	sshll.u32 s0, $0xA;
	s2 =	sadd.s32 s3, s2  }
0x8d: {  	s2 =	sadd.s32 s2, s17  }
0x8e: {  	[smem:$0x3FC6] =	sst s2  }
0x8f: {  	_ = 	snop  }
0x90: {  	s2 =	sld [smem:$0x3FC8]  }
0x91: {  	s18 =	sld [smem:$0x3FD0];
	(tm) =	ssettm $0x1  }
0x92: {  	s4 =	sld [smem:$0x3FFB];
	_ =	sdelay $0x3  }
0x93: {  	_ =	strace s4  }
0x94: {  	s4 =	sld [smem:$0x3FFC];
	_ =	sdelay $0x3  }
0x95: {  	_ =	strace s4  }
0x96: {  	s4 =	sld [smem:$0x3FFD];
	_ =	sdelay $0x3  }
0x97: {  	_ =	strace s4  }
0x98: {  	_ =	strace $0x8FFFFFFF  }
0x99: {  	s19 =	sld [smem:$0x3FDB];
	_ =	sdelay $0x1  }
0x9a: {  	s5 =	simm.s32 $_scs_section_size  }
0x9b: {  	s6 =	simm.s32 $_size__tile_overlayer_lowered;
	s7 =	simm.s32 $_tile_overlayer_lowered  }
0x9c: {  	s22 =	simm.s32 $0x1BFF;
	s21 =	sshll.u32 s7, $0x1;
	s4 =	sadd.s32 s5, s19  }
0x9d: {  	s8 =	simm.s32 $0x0;
	s20 =	sshll.u32 s6, $0x1;
	s6 =	sadd.s32 s21, s4  }
0x9e: {  	[timem:s8], [sflag:s22] =	dma.local [hbm:s6], s20  }
0x9f: {  	_ =	swait.ge [sflag:s22], s20  }
0xa0: {  	s5 =	ssub.s32 $0x0, s20;
	[sflag:s22] =	ssyncset.done $0x0  }
0xa1: {  	[sflag:s22] =	ssyncadd.s32 s5;
	_ =	sdelay $0x1  }
0xa2: {  	s23 =	simm.s32 $0x1B8B  }
0xa3: {  	_ =	swait.ge [sflag:s23], $0x1  }
0xa4: {  	[sflag:s23] =	ssyncset.done $0x0  }
0xa5: {  	s25 =	simm.s32 $0x1B8E;
	s24 =	sld [smem:$0x3FFE];
	[sflag:s23] =	ssyncadd.s32 $0xFFFFFFFF  }
0xa6: {  	s26 =	simm.s32 $execute0_lowered;
	[smem:$0x3FD2] =	sst s25  }
0xa7: {  	s6 =	sshll.u32 s26, $0x1;
	_ =	strace $0x80000046;
	[dreg:$0x1] =	wrdreg $0xFFFFFFFF  }
0xa8: {  	s28 =	simm.s32 $_size_execute0_lowered;
	s4 =	sadd.s32 s4, s6;
	[dreg:$0x0] =	wrdreg $0x0  }
0xa9: {  	s6 =	sshll.u32 s28, $0x1;
	[dreg:$0x2] =	wrdreg s4  }
0xaa: {  	[dreg:$0x3] =	wrdreg s6  }
0xab: {  	[dreg:$0x4] =	wrdreg $0xC0  }
0xac: {  	_ =	task [dreg:s8], $0x5FFFF  }
0xad: {  	[dreg:$0x1] =	wrdreg $0xFFFFFFFF  }
0xae: {  	[dreg:$0x0] =	wrdreg $0x60  }
0xaf: {  	[dreg:$0x2] =	wrdreg s2  }
0xb0: {  	[dreg:$0x3] =	wrdreg s18  }
0xb1: {  	[dreg:$0x4] =	wrdreg s24  }
0xb2: {  	[dreg:$0x5] =	wrdreg $0x9  }
0xb3: {  	_ =	task.clear_ibuf [dreg:s8], $0x6FFFF;
	_ =	strace $0x90000046  }
0xb4: {  	s29 =	simm.s32 $0x9;
	_ =	strace $0x80000048  }
0xb5: {  	_ =	swait.ge [sflag:s29], $0x1  }
0xb6: {  	[sflag:s29] =	ssyncadd.s32 $0xFFFFFFFF  }
0xb7: {  	_ =	strace $0x90000048  }
0xb8: {  	_ =	sfence  }
0xb9: {  	s30 =	sld [smem:$0x0];
	_ =	sdelay $0x2  }
0xba: {  	s31 =	sshll.u32 s1, $0xD;
	s1 =	sshrl.u32 s1, $0x2  }
0xbb: {  	s3 =	sand.u32 $0x4000, s31;
	s1 =	sadd.s32 s1, s30  }
0xbc: {  	s0 =	sor.u32 s3, s0;
	s1 =	sshll.u32 s1, $0x11  }
0xbd: {  	s0 =	sor.u32 s1, s0  }
0xbe: {  	s0 =	sadd.s32 $0x8F2B, s0  }
0xbf: {  	[sflag:s0] =	ssyncadd.remote.s32 $0x1  }
0xc0: {  	_ =	sfence.sel $0xFFFF  }
0xc1: {  	[dreg:$0x0] =	wrdreg $0xFFFFFFFF;
	(pc) =	sbr.abs _section_cstart, $3  }
0xc2: {  	[dreg:$0x1] =	wrdreg $0xFFFFFFFF  }
0xc3: {  	_ =	task.clear_ibuf [dreg:s8], $0x2FFFF;
	_ =	strace $0x9FFFFFFF  }
0xc4: {  	(tm) =	ssettm $0x7FFFFFFF  }
0xc5: {  	_ =	shalt  }
tec
execute0_lowered:
.L_overlay_start_1:
0x0: {  	(tag) =	ssettag $0x1  }
0x1: {  	s1 =	rddreg [dreg:$0x0]  }
0x2: {  	s0 =	rddreg [dreg:$0x1]  }
0x3: {  	s2 =	rddreg [dreg:$0x2];
	s3 =	simm.s32 $0x0;
	s16 =	stileid.u32  }
0x4: {  	s4 =	srdreg.scid;
	s12 =	simm.s32 $0x400;
	s13 =	simm.s32 $0x1380  }
0x5: {  	s14 =	simm.s32 $0x1;
	s15 =	simm.s32 $0x2;
	s17 =	simm.s32 $0x4  }
0x6: {  	s19 =	simm.s32 $0x5;
	s20 =	simm.s32 $0x7700;
	s21 =	simm.s32 $0x8100  }
0x7: {  	[smem:$0x7FF] =	sst s3;
	s5 =	sshrl.u32 s16, $0x2;
	s8 =	smul.u32 $0x61A800, s16  }
0x8: {  	s6 =	sand.u32 $0x1, s4;
	s22 =	sshll.u32 s16, $0x1;
	s7 =	smul.u32 $0xC3800, s5  }
0x9: {  	_ =	strace $0x80000047;
	s4 =	sor.u32 s6, s22;
	s9 =	ssub.s32 $0x2, s6  }
0xa: {  	s11 =	smul.u32 $0x30D400, s6;
	s5 =	sadd.s32 $0xA00, s2;
	s10 =	sshll.u32 s4, $0x7  }
0xb: {  	s23 =	sshrl.u32 s9, $0x1;
	s25 =	smul.u32 $0xA00, s4;
	s24 =	sand.u32 $0x380, s10  }
0xc: {  	s26 =	sadd.s32 s11, s8;
	s2 =	ssub.s32 s9, s23;
	s6 =	sor.u32 s7, s24  }
.Ltmp0:
0xd: {  	s29 =	sadd.s32 $0x18600, s26;
	s0 =	sadd.s32 s0, s25;
	(pc) =	sbr.rel .LBB2_1-.Ltmp0, $4  }
0xe: {  	s2 =	smax.u32 s2, $0x1;
	s28 =	sshrl.u32 s6, $0x3;
	[dreg:$0x5] =	wrdreg s0  }
0xf: {  	s31 =	sshrl.u32 s29, $0x3;
	[dreg:$0x6] =	wrdreg s2;
	s30 =	sadd.s32 s1, s28  }
0x10: {  	v0 =	vlaneseq.u32;
	p0 =	sgt.u32 s16, $0xC;
	s0 =	sadd.s32 s31, s5;
	[dreg:$0x4] =	wrdreg s30  }
0x11: {  	v0 =	vmul.u32 $0xA0, v0;
	s22 =	simm.s32 $0x0;
	s11 =	simm.s32 $0x80;
	[dreg:$0x7] =	wrdreg s0  }
.LBB2_8:
0x12: {  	[sflag:s19] =	ssyncset.done $0x0  }
0x13: {  	[sflag:s19] =	ssyncadd.s32 $0xFFFFFF60  }
.LBB2_9:
0x14: {  	s22 =	sadd.s32 $0x1, s22;
	s0 =	rddreg [dreg:$0x6]  }
0x15: {  	p1 =	sne.s32 s22, s0  }
.Ltmp1:
0x16: {  	_ = 	snop;
	(pc) =	sbr.rel @!p1 .LBB2_10-.Ltmp1, $1  }
0x17: {  	_ =	sdelay $0x3  }
.LBB2_1:
0x18: {  	s0 =	rddreg [dreg:$0x4];
	s10 =	sshllo.u32 s3, $0x1;
	s24 =	sand.u32 $0xFFFF, s3  }
0x19: {  	[tilespmem:s3], [sflag:$0x1] =	stream.strided.gather [hbm4b:s0+s11], $0x1380, s12, s11, $0x38;
	[tilespmem:$0x8B00] =	vst v63  }
0x1a: {  	s23 =	simm.s32 $0x0;
	s2 =	sand.u32 $0xFFFF, s10;
	s24 =	smul.u32 $0xCCCD, s24  }
0x1b: {  	s23 =	sand.u32 $0xFFFE, s23;
	s2 =	smul.u32 $0xCCCD, s2  }
0x1c: {  	s23 =	smul.u32 $0xCCCD, s23;
	s24 =	sshrl.u32 s24, $0x13  }
0x1d: {  	p1 =	por $0x0, $0x0;
	s2 =	sshrl.u32 s2, $0x14;
	s26 =	smul.u32 $0x30E000, s24  }
0x1e: {  	s23 =	sshrl.u32 s23, $0x14;
	s24 =	sshll.u32 s24, $0x5;
	s2 =	smul.u32 $0x14, s2  }
0x1f: {  	s25 =	simm.s32 @!p1 $0x2;
	s23 =	smul.u32 $0x14, s23;
	s24 =	sor.u32 s4, s24  }
0x20: {  	s25 =	sand.u32 @!p1 $0xFFFF, s25;
	s24 =	smul.u32 $0x186A0, s24;
	s0 =	ssub.s32 s10, s2  }
0x21: {  	s2 =	smul.u32 @!p1 $0xCCCD, s25;
	s0 =	sand.u32 $0xFFFF, s0  }
0x22: {  	s23 =	ssub.s32 $0x0, s23;
	s28 =	smul.u32 $0x1380, s0  }
0x23: {  	s16 =	sand.u32 $0xFFFE, s23;
	s0 =	smul.u32 $0x9C00, s0  }
0x24: {  	p2 =	por p1, p1;
	s2 =	sshrl.u32 @!p1 s2, $0x14;
	s30 =	smul.u32 $0x1380, s16  }
0x25: {  	s18 =	sadd.s32 s26, s6;
	s25 =	simm.s32 $0x2;
	s29 =	smul.u32 @!p1 $0x14, s2  }
0x26: {  	s23 =	simm.s32 $0x1;
	s2 =	smul.u32 @!p1 $0x30E000, s2;
	s0 =	sadd.s32 s0, s18  }
0x27: {  	s31 =	sadd.s32 s30, s24;
	s24 =	sadd.s32 s28, s24;
	s26 =	ssub.s32 @!p1 $0x2, s29  }
0x28: {  	s28 =	sshllo.u32 s23, $0x1;
	s0 =	sshrl.u32 s0, $0x3;
	s26 =	sand.u32 @!p1 $0xFFFF, s26  }
0x29: {  	s2 =	sadd.s32 @!p1 s2, s6;
	s0 =	sadd.s32 s1, s0;
	s26 =	smul.u32 @!p1 $0x9C00, s26  }
0x2a: {  	[tilespmem:s13], [sflag:$0x2] =	stream.strided.gather [hbm4b:s0+s11], $0x1380, s12, s11, $0x38;
	[tilespmem:$0x8B00] =	vst v63  }
0x2b: {  	s24 =	sshrl.u32 s24, $0x3;
	s29 =	simm.s32 @!p2 $0x80;
	_ =	swait.ge [sflag:s14], $0x1380  }
0x2c: {  	p1 =	por $0x1, $0x1;
	s2 =	sadd.s32 @!p2 s26, s2;
	[sflag:s14] =	ssyncset.done $0x0  }
0x2d: {  	s0 =	simm.s32 @!p1 $0x3;
	s2 =	sshrl.u32 @!p2 s2, $0x3;
	[sflag:s14] =	ssyncadd.s32 $0xFFFFEC80  }
0x2e: {  	s30 =	sadd.s32 @!p2 s1, s2;
	s2 =	sand.u32 $0xFFFF, s28;
	_ =	swait.ge @!p1 [sflag:s0], $0x1380  }
.LBB2_2:
0x2f: {  	s18 =	sand.u32 $0xFFFF, s23  }
0x30: {  	s8 =	sshll.u32 s23, $0x1;
	s2 =	smul.u32 $0xCCCD, s2;
	s26 =	smov.u32 s25  }
0x31: {  	p3 =	seq.s32 s23, $0x103;
	s31 =	sshrl.u32 s31, $0x3;
	[sflag:s0] =	ssyncset.done @!p1 $0x0  }
0x32: {  	s2 =	sshrl.u32 s2, $0x14;
	[sflag:s0] =	ssyncadd.s32 @!p1 $0xFFFFEC80;
	s0 =	sadd.s32 s5, s31  }
0x33: {  	[hbm4b:s0+s3] =	stream.linear.scatter [tilespmem:s3], [sflag:$0x3], $0x1380, $0x38;
	[tilespmem:$0x8B00] =	vst v63  }
0x34: {  	s31 =	sadd.s32 @!p3 $0x2, s8;
	s0 =	smul.u32 $0x14, s2;
	s2 =	sand.u32 $0xFFFE, s8  }
0x35: {  	s9 =	simm.s32 @!p1 $0x4;
	s7 =	sand.u32 @!p3 $0xFFFF, s31;
	s2 =	smul.u32 $0xCCCD, s2  }
0x36: {  	s10 =	simm.s32 @!p2 $0x400;
	s16 =	simm.s32 @!p2 $0x0;
	s18 =	smul.u32 $0xCCCD, s18  }
0x37: {  	[tilespmem:s16], [sflag:$0x1] =	stream.strided.gather @!p2 [hbm4b:s30+s29], $0x1380, s10, s29, $0x38;
	[tilespmem:$0x8B00] =	vst v63  }
0x38: {  	s2 =	sshrl.u32 s2, $0x14;
	s10 =	sshrl.u32 s18, $0x13;
	_ =	swait.ge [sflag:s15], $0x1380  }
0x39: {  	s2 =	smul.u32 $0x14, s2;
	s16 =	sshll.u32 s10, $0x5;
	[sflag:s15] =	ssyncset.done $0x0  }
0x3a: {  	s0 =	ssub.s32 s28, s0;
	s10 =	smul.u32 $0x30E000, s10;
	[sflag:s15] =	ssyncadd.s32 $0xFFFFEC80  }
0x3b: {  	s7 =	smul.u32 @!p3 $0xCCCD, s7;
	s16 =	sor.u32 s4, s16;
	_ =	swait.ge @!p1 [sflag:s9], $0x1380  }
0x3c: {  	s0 =	sand.u32 $0xFFFF, s0;
	s2 =	ssub.s32 s8, s2;
	[sflag:s9] =	ssyncset.done @!p1 $0x0  }
0x3d: {  	s7 =	sshrl.u32 @!p3 s7, $0x14;
	s8 =	smul.u32 $0x1380, s0;
	[sflag:s9] =	ssyncadd.s32 @!p1 $0xFFFFEC80  }
0x3e: {  	s25 =	sadd.s32 $0x1, s25;
	s0 =	smul.u32 $0x9C00, s0;
	s9 =	sadd.s32 s10, s6  }
0x3f: {  	p4 =	sne.s32 s25, $0x104;
	s2 =	sand.u32 $0xFFFE, s2;
	s10 =	smul.u32 @!p3 $0x14, s7  }
0x40: {  	s2 =	smul.u32 $0x1380, s2;
	s0 =	sadd.s32 s0, s9;
	s9 =	sadd.s32 s5, s24  }
0x41: {  	s16 =	smul.u32 $0x186A0, s16;
	s0 =	sshrl.u32 s0, $0x3;
	s10 =	ssub.s32 @!p3 s31, s10  }
0x42: {  	s7 =	smul.u32 @!p3 $0x30E000, s7;
	s0 =	sadd.s32 s1, s0;
	s10 =	sand.u32 @!p3 $0xFFFF, s10  }
0x43: {  	s8 =	sadd.s32 s8, s16;
	s31 =	sadd.s32 s2, s16;
	s2 =	smul.u32 @!p3 $0x9C00, s10  }
0x44: {  	[hbm4b:s9+s3] =	stream.linear.scatter [tilespmem:s13], [sflag:$0x4], $0x1380, $0x38;
	[tilespmem:$0x8B00] =	vst v63  }
0x45: {  	p2 =	por p3, p3;
	s24 =	sshrl.u32 s8, $0x3;
	s7 =	sadd.s32 @!p3 s7, s6  }
0x46: {  	s2 =	sadd.s32 @!p2 s2, s7  }
0x47: {  	[tilespmem:s13], [sflag:$0x2] =	stream.strided.gather [hbm4b:s0+s11], $0x1380, s12, s11, $0x38;
	[tilespmem:$0x8B00] =	vst v63  }
.Ltmp2:
0x48: {  	_ = 	snop;
	(pc) =	sbr.rel @p4 .LBB2_2-.Ltmp2, $4  }
0x49: {  	s29 =	simm.s32 @!p2 $0x80;
	s0 =	sshrl.u32 @!p2 s2, $0x3;
	_ =	swait.ge [sflag:s14], $0x1380  }
0x4a: {  	p1 =	seq.s32 s23, $0x0;
	s30 =	sadd.s32 @!p2 s1, s0;
	[sflag:s14] =	ssyncset.done $0x0  }
0x4b: {  	s28 =	sshllo.u32 s26, $0x1;
	s0 =	simm.s32 @!p1 $0x3;
	[sflag:s14] =	ssyncadd.s32 $0xFFFFEC80  }
0x4c: {  	s23 =	smov.u32 s26;
	s2 =	sand.u32 $0xFFFF, s28;
	_ =	swait.ge @!p1 [sflag:s0], $0x1380  }
0x4d: {  	s7 =	sand.u32 $0xFFFF, s23;
	s8 =	sshll.u32 s23, $0x1  }
0x4e: {  	s2 =	smul.u32 $0xCCCD, s2;
	p3 =	seq.s32 s23, $0x103;
	[sflag:s0] =	ssyncset.done @!p1 $0x0  }
0x4f: {  	s9 =	sshrl.u32 s31, $0x3;
	s16 =	simm.s32 @!p1 $0x4;
	[sflag:s0] =	ssyncadd.s32 @!p1 $0xFFFFEC80  }
0x50: {  	s26 =	sadd.s32 s5, s9;
	s7 =	smul.u32 $0xCCCD, s7;
	s2 =	sshrl.u32 s2, $0x14  }
0x51: {  	[hbm4b:s26+s3] =	stream.linear.scatter [tilespmem:s3], [sflag:$0x3], $0x1380, $0x38;
	[tilespmem:$0x8B00] =	vst v63  }
0x52: {  	s25 =	sand.u32 $0xFFFE, s8;
	s9 =	sadd.s32 @!p3 $0x2, s8;
	s31 =	smul.u32 $0x14, s2  }
0x53: {  	s18 =	simm.s32 @!p2 $0x400;
	s10 =	sand.u32 @!p3 $0xFFFF, s9;
	s2 =	smul.u32 $0xCCCD, s25  }
0x54: {  	s25 =	simm.s32 @!p2 $0x0;
	s7 =	sshrl.u32 s7, $0x13;
	s10 =	smul.u32 @!p3 $0xCCCD, s10  }
0x55: {  	[tilespmem:s25], [sflag:$0x1] =	stream.strided.gather @!p2 [hbm4b:s30+s29], $0x1380, s18, s29, $0x38;
	[tilespmem:$0x8B00] =	vst v63  }
0x56: {  	s26 =	sshll.u32 s7, $0x5;
	s7 =	smul.u32 $0x30E000, s7;
	s2 =	sshrl.u32 s2, $0x14  }
0x57: {  	_ =	swait.ge [sflag:s15], $0x1380;
	s0 =	ssub.s32 s28, s31;
	s18 =	sor.u32 s4, s26  }
0x58: {  	s2 =	smul.u32 $0x14, s2;
	[sflag:s15] =	ssyncset.done $0x0;
	s0 =	sand.u32 $0xFFFF, s0  }
0x59: {  	s7 =	sadd.s32 s7, s6;
	s18 =	smul.u32 $0x186A0, s18;
	[sflag:s15] =	ssyncadd.s32 $0xFFFFEC80  }
0x5a: {  	s29 =	smul.u32 $0x9C00, s0;
	_ =	swait.ge @!p1 [sflag:s16], $0x1380;
	s2 =	ssub.s32 s8, s2  }
0x5b: {  	s8 =	sshrl.u32 @!p3 s10, $0x14;
	[sflag:s16] =	ssyncset.done @!p1 $0x0;
	s2 =	sand.u32 $0xFFFE, s2  }
0x5c: {  	s7 =	sadd.s32 s29, s7;
	[sflag:s16] =	ssyncadd.s32 @!p1 $0xFFFFEC80;
	s16 =	smul.u32 @!p3 $0x14, s8  }
0x5d: {  	s30 =	sadd.s32 s5, s24;
	s2 =	smul.u32 $0x1380, s2;
	s7 =	sshrl.u32 s7, $0x3  }
0x5e: {  	[hbm4b:s30+s3] =	stream.linear.scatter [tilespmem:s13], [sflag:$0x4], $0x1380, $0x38;
	[tilespmem:$0x8B00] =	vst v63  }
0x5f: {  	p2 =	por p3, p3;
	s8 =	smul.u32 @!p3 $0x30E000, s8;
	s7 =	sadd.s32 s1, s7  }
0x60: {  	[tilespmem:s13], [sflag:$0x2] =	stream.strided.gather [hbm4b:s7+s11], $0x1380, s12, s11, $0x38;
	[tilespmem:$0x8B00] =	vst v63  }
0x61: {  	p1 =	seq.s32 s23, $0x0;
	s9 =	ssub.s32 @!p3 s9, s16;
	_ =	swait.ge [sflag:s14], $0x1380  }
0x62: {  	s2 =	sadd.s32 s2, s18;
	s9 =	sand.u32 @!p3 $0xFFFF, s9;
	[sflag:s14] =	ssyncset.done $0x0  }
0x63: {  	s7 =	smul.u32 @!p3 $0x9C00, s9;
	s9 =	simm.s32 @!p1 $0x3;
	[sflag:s14] =	ssyncadd.s32 $0xFFFFEC80  }
0x64: {  	s8 =	sadd.s32 @!p3 s8, s6;
	s2 =	sshrl.u32 s2, $0x3;
	_ =	swait.ge @!p1 [sflag:s9], $0x1380  }
0x65: {  	s2 =	sadd.s32 s5, s2;
	s7 =	sadd.s32 @!p2 s7, s8;
	[sflag:s9] =	ssyncset.done @!p1 $0x0  }
0x66: {  	s8 =	simm.s32 @!p2 $0x80;
	s7 =	sshrl.u32 @!p2 s7, $0x3;
	[sflag:s9] =	ssyncadd.s32 @!p1 $0xFFFFEC80  }
0x67: {  	[hbm4b:s2+s3] =	stream.linear.scatter [tilespmem:s3], [sflag:$0x3], $0x1380, $0x38;
	[tilespmem:$0x8B00] =	vst v63  }
0x68: {  	s9 =	simm.s32 @!p2 $0x0;
	s2 =	sadd.s32 @!p2 s1, s7;
	s7 =	simm.s32 @!p2 $0x400  }
0x69: {  	[tilespmem:s9], [sflag:$0x1] =	stream.strided.gather @!p2 [hbm4b:s2+s8], $0x1380, s7, s8, $0x38;
	[tilespmem:$0x8B00] =	vst v63  }
0x6a: {  	_ =	swait.ge [sflag:s15], $0x1380  }
0x6b: {  	s0 =	smul.u32 $0x1380, s0;
	[sflag:s15] =	ssyncset.done $0x0  }
0x6c: {  	s2 =	simm.s32 @!p1 $0x4;
	[sflag:s15] =	ssyncadd.s32 $0xFFFFEC80  }
0x6d: {  	s0 =	sadd.s32 s0, s18;
	_ =	swait.ge @!p1 [sflag:s2], $0x1380  }
0x6e: {  	s0 =	sshrl.u32 s0, $0x3;
	[sflag:s2] =	ssyncset.done @!p1 $0x0  }
0x6f: {  	s31 =	simm.s32 $0x3;
	s0 =	sadd.s32 s5, s0;
	[sflag:s2] =	ssyncadd.s32 @!p1 $0xFFFFEC80  }
0x70: {  	[hbm4b:s0+s3] =	stream.linear.scatter [tilespmem:s13], [sflag:$0x4], $0x1380, $0x38;
	[tilespmem:$0x8B00] =	vst v63  }
0x71: {  	_ =	swait.ge [sflag:s31], $0x1380  }
.Ltmp3:
0x72: {  	[sflag:s31] =	ssyncset.done $0x0;
	(pc) =	sbr.rel @p0 .LBB2_9-.Ltmp3, $4  }
0x73: {  	[sflag:s31] =	ssyncadd.s32 $0xFFFFEC80  }
0x74: {  	_ =	swait.ge [sflag:s17], $0x1380  }
0x75: {  	[sflag:s17] =	ssyncset.done $0x0  }
0x76: {  	[sflag:s17] =	ssyncadd.s32 $0xFFFFEC80  }
0x77: {  	s2 =	simm.s32 $0x0;
	s0 =	rddreg [dreg:$0x5];
	s7 =	simm.s32 $0x2700  }
0x78: {  	[tilespmem:s7], [sflag:$0x5] =	stream.linear.gather [hbm4b:s0+s2], $0x5000, $0x38;
	[tilespmem:$0x8B00] =	vst v63  }
0x79: {  	_ =	swait.ge [sflag:s19], $0x5000  }
0x7a: {  	[sflag:s19] =	ssyncset.done $0x0  }
0x7b: {  	s0 =	simm.s32 $0x2710;
	[sflag:s19] =	ssyncadd.s32 $0xFFFFB000  }
0x7c: {  	v1 =	vadd.s32 s2, v0;
	v2 =	vld [tilespmem:s0+$0xFFFFFFF0]  }
0x7d: {  	s23 =	simm.s32 $0x1;
	v3 =	vld [tilespmem:s0+$0x0]  }
.LBB2_5:
0x7e: {  	p1 =	sne.s32 s23, $0x9F;
	_ =	sdelay $0x1  }
.Ltmp4:
0x7f: {  	(pc) =	sbr.rel @p1 .LBB2_5-.Ltmp4, $4  }
0x80: {  	[tilespmem:v1+s20+$0x0] =	vst.idx.msk $0xffff, v2  }
0x81: {  	s0 =	sadd.s32 $0x80, s0;
	[tilespmem:v1+s21+$0x0] =	vst.idx.msk $0xffff, v3  }
0x82: {  	v1 =	vadd.s32 s23, v0;
	v2 =	vld [tilespmem:s0+$0xFFFFFFF0]  }
0x83: {  	s23 =	sadd.s32 $0x1, s23;
	v3 =	vld [tilespmem:s0+$0x0]  }
0x84: {  	_ =	sdelay $0x3  }
0x85: {  	[tilespmem:v1+s20+$0x0] =	vst.idx.msk $0xffff, v2  }
0x86: {  	s0 =	simm.s32 $0x7700;
	s23 =	rddreg [dreg:$0x7];
	[tilespmem:v1+s21+$0x0] =	vst.idx.msk $0xffff, v3  }
0x87: {  	[hbm4b:s23+s3] =	stream.linear.scatter [tilespmem:s0], [sflag:$0x5], $0xA0, $0x38;
	[tilespmem:$0x8B00] =	vst v63  }
0x88: {  	s0 =	simm.s32 $0x280;
	_ =	swait.ge [sflag:s19], $0xA0  }
.LBB2_7:
0x89: {  	s2 =	sshra.s32 s0, $0x2  }
0x8a: {  	[sflag:s19] =	ssyncset.done $0x0;
	s23 =	sadd.s32 $0x30D4, s23;
	p1 =	sne.s32 s0, $0x4D80  }
.Ltmp5:
0x8b: {  	s2 =	sadd.s32 $0x7700, s2;
	[sflag:s19] =	ssyncadd.s32 $0xFFFFFF60;
	(pc) =	sbr.rel @p1 .LBB2_7-.Ltmp5, $3  }
0x8c: {  	[hbm4b:s23+s3] =	stream.linear.scatter [tilespmem:s2], [sflag:$0x5], $0xA0, $0x38;
	[tilespmem:$0x8B00] =	vst v63  }
0x8d: {  	s0 =	sadd.s32 $0x280, s0;
	_ =	sdelay $0x1  }
0x8e: {  	_ =	swait.ge [sflag:s19], $0xA0  }
.Ltmp6:
0x8f: {  	_ = 	snop;
	(pc) =	sbr.rel .LBB2_8-.Ltmp6, $1  }
0x90: {  	_ =	sdelay $0x3  }
.LBB2_10:
0x91: {  	_ =	sfence.sel $0x180000  }
0x92: {  	[bflag:$0x0] =	sbarrier.arrive $0xFFFF  }
0x93: {  	_ =	strace $0x90000047  }
0x94: {  	s0 =	stileid.u32;
	[bflag:$0x2] =	sbarrier.arrive $0xFFFF  }
0x95: {  	p0 =	sne.s32 s0, $0x0;
	s0 =	rddreg [dreg:$0x3]  }
0x96: {  	s0 =	sadd.s32 @!p0 $0x100000, s0  }
0x97: {  	[sflag:s0] =	ssyncadd.tile.s32 @!p0 $0x1;
	_ =	shalt  }
.Lfunc_end2:
_tile_overlayer_lowered:
.L_overlay_start_2:
0x98: {  	(tag) =	ssettag $0x2  }
0x99: {  	s0 =	rddreg [dreg:$0x0];
	s2 =	stileid.u32  }
0x9a: {  	s1 =	rddreg [dreg:$0x1];
	p0 =	sne.s32 s2, $0x0  }
0x9b: {  	s3 =	rddreg [dreg:$0x2];
	[bflag:$0x3] =	sbarrier.arrive $0xFFFF;
	s2 =	simm.s32 @!p0 $0x1C05  }
0x9c: {  	[timem:s3], [sflag:s2] =	dma.local @!p0 [hbm:s0], s1  }
0x9d: {  	s0 =	simm.s32 @!p0 $0x5  }
0x9e: {  	_ =	swait.ge @!p0 [sflag:s0], s1  }
0x9f: {  	s1 =	ssub.s32 @!p0 $0x0, s1;
	[sflag:s0] =	ssyncset.done @!p0 $0x0  }
0xa0: {  	[sflag:s0] =	ssyncadd.s32 @!p0 s1  }
0xa1: {  	[bflag:$0x3] =	sbarrier.arrive $0xFFFF  }
0xa2: {  	_ =	shalt  }

// kernel: kernel.7.cloned.1.call-start
scs
__scs_entry_jumppad:
0x0: {  	(pc) =	sbr.rel $0x88, $3  }
0x1: {  	(tag) =	ssettag $0x0;
	lr =	simm.s32 $0x1  }
0x2: {  	[smem:$0x3F9F] =	sst lr;
	_ =	strace $0xD0000000  }
0x3: {  	_ = 	snop  }
0x4: {  	_ = 	snop  }
0x5: {  	_ = 	snop  }
0x6: {  	_ = 	snop  }
0x7: {  	_ = 	snop  }
__scs_overlays_trampoline_lowered:
0x8: {  	[smem:$0x3FAE] =	sst s0  }
0x9: {  	[smem:$0x3FAF] =	sst s1  }
0xa: {  	[smem:$0x3FB0] =	sst s2  }
0xb: {  	[smem:$0x3FB1] =	sst s3  }
0xc: {  	[smem:$0x3FB2] =	sst s4  }
0xd: {  	[smem:$0x3FB3] =	sst s5  }
0xe: {  	[smem:$0x3FB4] =	sst s6  }
0xf: {  	[smem:$0x3FB5] =	sst s7  }
0x10: {  	[smem:$0x3FB6] =	sst s8  }
0x11: {  	[smem:$0x3FB7] =	sst s9;
	s0 =	simm.s32 @!p0 $0x0  }
0x12: {  	s1 =	sld [smem:$0x3F9D];
	s0 =	simm.s32 @p0 $0x1  }
0x13: {  	[smem:$0x3FB8] =	sst s0;
	s0 =	simm.s32 @!p1 $0x0  }
0x14: {  	s2 =	sld [smem:$0x3F9C];
	s0 =	simm.s32 @p1 $0x1  }
0x15: {  	[smem:$0x3FB9] =	sst s0;
	s0 =	simm.s32 @!p2 $0x0  }
0x16: {  	s3 =	sld [smem:$0x3FDB];
	s0 =	simm.s32 @p2 $0x1  }
0x17: {  	s4 =	simm.s32 $0x1BF5;
	[smem:$0x3FBB] =	sst s0  }
0x18: {  	s0 =	sld [smem:$0x3F9E];
	_ =	swait.ge [sflag:s4], $0x0  }
0x19: {  	s7 =	sld [smem:$0x3F9F]  }
0x1a: {  	s8 =	sadd.s32 $0xFFFFE003, lr  }
0x1b: {  	s9 =	sadd.s32 $0xFFFFFEF7, lr;
	s5 =	simm.s32 $0xFFFFFFFF;
	p2 =	slt.u32 s8, $0xFFFFF086  }
0x1c: {  	p1 =	slt.u32 s9, $0xF7A;
	s5 =	simm.s32 @!p2 $0x0  }
0x1d: {  	s5 =	simm.s32 @p1 $0x1;
	p0 =	seq.s32 s7, s2  }
0x1e: {  	s7 =	smul.u32 @!p0 $0xF7A, s2;
	p2 =	seq.s32 @!p0 s5, $0x0  }
0x1f: {  	s9 =	smul.u32 $0xF7A, s1;
	s8 =	simm.s32 @!p0 $0x1BF5;
	p2 =	por !p2, p0  }
0x20: {  	[sflag:s8] =	ssyncset.s32 @!p0 $0xFFFFF086;
	s6 =	sadd.s32 @!p0 s3, s7;
	s7 =	simm.s32 @!p0 $0x108  }
0x21: {  	s3 =	sadd.s32 s3, s9;
	s6 =	sadd.s32 @!p0 $0x88, s6;
	s7 =	simm.s32 @p2 $0x1082  }
0x22: {  	[simem:s7], [sflag:s8] =	dma.local @!p0 [hbm:s6], $0xF7A  }
0x23: {  	s9 =	sor.u32 $0xD0000000, s2;
	s6 =	simm.s32 $0x108;
	_ =	swait.ge @!p0 [sflag:s8], $0x0  }
0x24: {  	s3 =	sadd.s32 $0x88, s3;
	s6 =	simm.s32 @!p1 $0x1082;
	[sflag:s4] =	ssyncset.s32 $0xFFFFF086  }
0x25: {  	[simem:s6], [sflag:s4] =	dma.local [hbm:s3], $0xF7A  }
0x26: {  	[smem:$0x3F9F] =	sst s1;
	(tag) =	ssettag s2;
	_ =	strace s9  }
0x27: {  	s1 =	sld [smem:$0x3FAF]  }
0x28: {  	s2 =	sld [smem:$0x3FB0]  }
0x29: {  	s4 =	sld [smem:$0x3FB2]  }
0x2a: {  	p0 =	seq.s32 s5, $0x0;
	s5 =	sld [smem:$0x3FB3]  }
0x2b: {  	s6 =	sld [smem:$0x3FB4]  }
0x2c: {  	s7 =	sld [smem:$0x3FB5]  }
0x2d: {  	s3 =	simm.s32 $0x108;
	s8 =	sld [smem:$0x3FB6]  }
0x2e: {  	s3 =	simm.s32 @!p0 $0x1082;
	s9 =	sld [smem:$0x3FB7]  }
0x2f: {  	lr =	sadd.s32 s0, s3;
	s0 =	sld [smem:$0x3FAE]  }
0x30: {  	s3 =	sld [smem:$0x3FB1]  }
0x31: {  	[smem:$0x3FBA] =	sst s10  }
0x32: {  	s10 =	sld [smem:$0x3FB8];
	_ =	sdelay $0x3  }
0x33: {  	p0 =	seq.s32 s10, $0x1;
	s10 =	sld [smem:$0x3FBA];
	_ =	sdelay $0x3  }
0x34: {  	[smem:$0x3FBA] =	sst s10  }
0x35: {  	s10 =	sld [smem:$0x3FB9];
	_ =	sdelay $0x3  }
0x36: {  	p1 =	seq.s32 s10, $0x1;
	s10 =	sld [smem:$0x3FBA];
	_ =	sdelay $0x3  }
0x37: {  	[smem:$0x3FBA] =	sst s10  }
0x38: {  	s10 =	sld [smem:$0x3FBB]  }
0x39: {  	_ = 	snop;
	(pc) =	sbr.ind lr, $3  }
0x3a: {  	_ = 	snop  }
0x3b: {  	_ = 	snop  }
0x3c: {  	p2 =	seq.s32 s10, $0x1;
	s10 =	sld [smem:$0x3FBA]  }
0x3d: {  	_ =	shalt  }
0x3e: {  	_ =	shalt  }
0x3f: {  	_ =	shalt  }
0x40: {  	_ =	shalt  }
0x41: {  	_ =	shalt  }
0x42: {  	_ =	shalt  }
0x43: {  	_ =	shalt  }
0x44: {  	_ =	shalt  }
0x45: {  	_ =	shalt  }
0x46: {  	_ =	shalt  }
0x47: {  	_ =	shalt  }
0x48: {  	_ =	shalt  }
0x49: {  	_ =	shalt  }
0x4a: {  	_ =	shalt  }
0x4b: {  	_ =	shalt  }
0x4c: {  	_ =	shalt  }
0x4d: {  	_ =	shalt  }
0x4e: {  	_ =	shalt  }
0x4f: {  	_ =	shalt  }
0x50: {  	_ =	shalt  }
0x51: {  	_ =	shalt  }
0x52: {  	_ =	shalt  }
0x53: {  	_ =	shalt  }
0x54: {  	_ =	shalt  }
0x55: {  	_ =	shalt  }
0x56: {  	_ =	shalt  }
0x57: {  	_ =	shalt  }
0x58: {  	_ =	shalt  }
0x59: {  	_ =	shalt  }
0x5a: {  	_ =	shalt  }
0x5b: {  	_ =	shalt  }
0x5c: {  	_ =	shalt  }
0x5d: {  	_ =	shalt  }
0x5e: {  	_ =	shalt  }
0x5f: {  	_ =	shalt  }
0x60: {  	_ =	shalt  }
0x61: {  	_ =	shalt  }
0x62: {  	_ =	shalt  }
0x63: {  	_ =	shalt  }
0x64: {  	_ =	shalt  }
0x65: {  	_ =	shalt  }
0x66: {  	_ =	shalt  }
0x67: {  	_ =	shalt  }
0x68: {  	_ =	shalt  }
0x69: {  	_ =	shalt  }
0x6a: {  	_ =	shalt  }
0x6b: {  	_ =	shalt  }
0x6c: {  	_ =	shalt  }
0x6d: {  	_ =	shalt  }
0x6e: {  	_ =	shalt  }
0x6f: {  	_ =	shalt  }
0x70: {  	_ =	shalt  }
0x71: {  	_ =	shalt  }
0x72: {  	_ =	shalt  }
0x73: {  	_ =	shalt  }
0x74: {  	_ =	shalt  }
0x75: {  	_ =	shalt  }
0x76: {  	_ =	shalt  }
0x77: {  	_ =	shalt  }
0x78: {  	_ =	shalt  }
0x79: {  	_ =	shalt  }
0x7a: {  	_ =	shalt  }
0x7b: {  	_ =	shalt  }
0x7c: {  	_ =	shalt  }
0x7d: {  	_ =	shalt  }
0x7e: {  	_ =	shalt  }
0x7f: {  	_ =	shalt  }
0x80: {  	_ =	shalt  }
0x81: {  	_ =	shalt  }
0x82: {  	_ =	shalt  }
0x83: {  	_ =	shalt  }
0x84: {  	_ =	shalt  }
0x85: {  	_ =	shalt  }
0x86: {  	_ =	shalt  }
0x87: {  	_ =	shalt  }
.Lfunc_end0:
.L_simem_size_0:
called_computation.1_lowered:
.L_overlay_start_0:
0x88: {  	s2 =	sld [smem:$0x3FD9]  }
0x89: {  	s3 =	sld [smem:$0x3FFE];
	_ =	sdelay $0x1  }
0x8a: {  	s1 =	srdreg.scid  }
0x8b: {  	s0 =	sand.u32 $0x1, s1  }
0x8c: {  	s17 =	sshll.u32 s0, $0xA;
	s2 =	sadd.s32 s3, s2  }
0x8d: {  	s2 =	sadd.s32 s2, s17  }
0x8e: {  	[smem:$0x3FC6] =	sst s2  }
0x8f: {  	_ = 	snop  }
0x90: {  	s2 =	sld [smem:$0x3FD0];
	(tm) =	ssettm $0x1  }
0x91: {  	s18 =	sld [smem:$0x3FFB];
	_ =	sdelay $0x3  }
0x92: {  	_ =	strace s18  }
0x93: {  	s3 =	sld [smem:$0x3FFC];
	_ =	sdelay $0x3  }
0x94: {  	_ =	strace s3  }
0x95: {  	s3 =	sld [smem:$0x3FFD];
	_ =	sdelay $0x3  }
0x96: {  	_ =	strace s3  }
0x97: {  	_ =	strace $0x8FFFFFFF  }
0x98: {  	s19 =	sld [smem:$0x3FDB];
	_ =	sdelay $0x1  }
0x99: {  	s4 =	simm.s32 $_scs_section_size  }
0x9a: {  	s5 =	simm.s32 $_size__tile_overlayer_lowered;
	s6 =	simm.s32 $_tile_overlayer_lowered  }
0x9b: {  	s22 =	simm.s32 $0x1BFF;
	s21 =	sshll.u32 s6, $0x1;
	s3 =	sadd.s32 s4, s19  }
0x9c: {  	s7 =	simm.s32 $0x0;
	s20 =	sshll.u32 s5, $0x1;
	s5 =	sadd.s32 s21, s3  }
0x9d: {  	[timem:s7], [sflag:s22] =	dma.local [hbm:s5], s20  }
0x9e: {  	_ =	swait.ge [sflag:s22], s20  }
0x9f: {  	s4 =	ssub.s32 $0x0, s20;
	[sflag:s22] =	ssyncset.done $0x0  }
0xa0: {  	[sflag:s22] =	ssyncadd.s32 s4;
	_ =	sdelay $0x1  }
0xa1: {  	s23 =	simm.s32 $0x1B8B  }
0xa2: {  	_ =	swait.ge [sflag:s23], $0x1  }
0xa3: {  	[sflag:s23] =	ssyncset.done $0x0  }
0xa4: {  	s25 =	simm.s32 $0x1B8E;
	s24 =	sld [smem:$0x3FFE];
	[sflag:s23] =	ssyncadd.s32 $0xFFFFFFFF  }
0xa5: {  	s26 =	simm.s32 $execute0_lowered;
	[smem:$0x3FD2] =	sst s25  }
0xa6: {  	s5 =	sshll.u32 s26, $0x1;
	_ =	strace $0x80000049;
	[dreg:$0x1] =	wrdreg $0xFFFFFFFF  }
0xa7: {  	s28 =	simm.s32 $_size_execute0_lowered;
	s3 =	sadd.s32 s3, s5;
	[dreg:$0x0] =	wrdreg $0x0  }
0xa8: {  	s5 =	sshll.u32 s28, $0x1;
	[dreg:$0x2] =	wrdreg s3  }
0xa9: {  	[dreg:$0x3] =	wrdreg s5  }
0xaa: {  	[dreg:$0x4] =	wrdreg $0xC0  }
0xab: {  	_ =	task [dreg:s7], $0x5FFFF  }
0xac: {  	[dreg:$0x1] =	wrdreg $0xFFFFFFFF  }
0xad: {  	[dreg:$0x0] =	wrdreg $0x60  }
0xae: {  	[dreg:$0x2] =	wrdreg s24  }
0xaf: {  	[dreg:$0x3] =	wrdreg s2  }
0xb0: {  	[dreg:$0x4] =	wrdreg $0x9  }
0xb1: {  	_ =	task.clear_ibuf [dreg:s7], $0x5FFFF;
	_ =	strace $0x90000049  }
0xb2: {  	s29 =	simm.s32 $0x9;
	_ =	strace $0x8000004B  }
0xb3: {  	_ =	swait.ge [sflag:s29], $0x1  }
0xb4: {  	[sflag:s29] =	ssyncadd.s32 $0xFFFFFFFF  }
0xb5: {  	_ =	strace $0x9000004B  }
0xb6: {  	_ =	sfence  }
0xb7: {  	s30 =	sld [smem:$0x0];
	_ =	sdelay $0x2  }
0xb8: {  	s31 =	sshll.u32 s1, $0xD;
	s1 =	sshrl.u32 s1, $0x2  }
0xb9: {  	s3 =	sand.u32 $0x4000, s31;
	s1 =	sadd.s32 s1, s30  }
0xba: {  	s0 =	sor.u32 s3, s0;
	s1 =	sshll.u32 s1, $0x11  }
0xbb: {  	s0 =	sor.u32 s1, s0  }
0xbc: {  	s0 =	sadd.s32 $0x8F2B, s0  }
0xbd: {  	[sflag:s0] =	ssyncadd.remote.s32 $0x1  }
0xbe: {  	_ =	sfence.sel $0xFFFF  }
0xbf: {  	[dreg:$0x0] =	wrdreg $0xFFFFFFFF;
	(pc) =	sbr.abs _section_cstart, $3  }
0xc0: {  	[dreg:$0x1] =	wrdreg $0xFFFFFFFF  }
0xc1: {  	_ =	task.clear_ibuf [dreg:s7], $0x2FFFF;
	_ =	strace $0x9FFFFFFF  }
0xc2: {  	(tm) =	ssettm $0x7FFFFFFF  }
0xc3: {  	_ =	shalt  }
tec
execute0_lowered:
.L_overlay_start_1:
0x0: {  	(tag) =	ssettag $0x1  }
0x1: {  	s6 =	rddreg [dreg:$0x0]  }
0x2: {  	s2 =	rddreg [dreg:$0x1]  }
0x3: {  	s0 =	rddreg [dreg:$0x2]  }
0x4: {  	s3 =	simm.s32 $0x0;
	s4 =	srdreg.scid;
	s1 =	stileid.u32  }
0x5: {  	s11 =	simm.s32 $0x19700;
	s12 =	simm.s32 $0x1;
	s13 =	simm.s32 $0x80  }
0x6: {  	s14 =	simm.s32 $0x400;
	s15 =	simm.s32 $0x1A700;
	s16 =	simm.s32 $0x2  }
0x7: {  	s17 =	simm.s32 $0x4;
	s18 =	simm.s32 $0x1B700;
	s19 =	simm.s32 $0x3  }
0x8: {  	s20 =	simm.s32 $0x0;
	[smem:$0x7FF] =	sst s3;
	s4 =	sand.u32 $0x1, s4  }
0x9: {  	s5 =	sshll.u32 s1, $0x1;
	s9 =	sshll.u32 s1, $0xD;
	_ =	strace $0x8000004A  }
0xa: {  	s7 =	ssub.s32 $0x2, s4;
	s4 =	sor.u32 s4, s5;
	s5 =	sadd.s32 $0x9EBC00, s6  }
0xb: {  	s6 =	sadd.s32 $0xA00, s6;
	s8 =	sshrl.u32 s7, $0x1;
	s10 =	sshll.u32 s4, $0x7  }
0xc: {  	s8 =	ssub.s32 s7, s8;
	s31 =	sor.u32 s10, s9;
	s9 =	simm.s32 $0x5  }
0xd: {  	s10 =	simm.s32 $0x18700;
	s7 =	sand.u32 $0x18380, s31;
	s8 =	smax.u32 s8, $0x1  }
.LBB2_1:
0xe: {  	s21 =	simm.s32 $0x0  }
.LBB2_2:
0xf: {  	s22 =	sshll.u32 s21, $0x5  }
0x10: {  	s22 =	sor.u32 s4, s22  }
0x11: {  	s22 =	smul.u32 $0x30D4, s22;
	_ =	sdelay $0x1  }
0x12: {  	s23 =	sadd.s32 s6, s22;
	s22 =	simm.s32 $0x0  }
0x13: {  	[tilespmem:s22], [sflag:$0x5] =	stream.linear.gather [hbm4b:s23+s22], $0x186A0, $0x38;
	[tilespmem:$0x1C700] =	vst v63  }
0x14: {  	s31 =	smul.u32 $0x2800, s21;
	_ =	swait.ge [sflag:s9], $0x186A0  }
0x15: {  	[sflag:s9] =	ssyncset.done $0x0  }
0x16: {  	s23 =	sadd.s32 s5, s31;
	[sflag:s9] =	ssyncadd.s32 $0xFFFE7960  }
0x17: {  	[tilespmem:s10], [sflag:$0x1] =	stream.linear.gather [hbm4b:s23+s22], $0x1000, $0x38;
	[tilespmem:$0x1C700] =	vst v63  }
0x18: {  	s23 =	smul.u32 $0x14, s21  }
0x19: {  	s24 =	sshll.u32 s21, $0x11  }
0x1a: {  	s24 =	sor.u32 s7, s24;
	s25 =	sor.u32 $0x2, s23  }
.LBB2_3:
0x1b: {  	s26 =	sshllo.u32 s22, $0x1  }
0x1c: {  	s28 =	sadd.s32 s23, s26  }
0x1d: {  	s28 =	sshll.u32 s28, $0x9  }
0x1e: {  	s28 =	sadd.s32 s5, s28  }
0x1f: {  	[tilespmem:s11], [sflag:$0x2] =	stream.linear.gather [hbm4b:s28+s3], $0x1000, $0x38;
	[tilespmem:$0x1C700] =	vst v63  }
0x20: {  	_ =	swait.ge [sflag:s12], $0x1000  }
0x21: {  	p0 =	seq.s32 s22, $0x0;
	[sflag:s12] =	ssyncset.done $0x0  }
0x22: {  	s28 =	simm.s32 @!p0 $0x3;
	[sflag:s12] =	ssyncadd.s32 $0xFFFFF000  }
0x23: {  	_ =	swait.ge @!p0 [sflag:s28], $0x1000  }
0x24: {  	[sflag:s28] =	ssyncset.done @!p0 $0x0  }
0x25: {  	[sflag:s28] =	ssyncadd.s32 @!p0 $0xFFFFF000;
	s28 =	simm.s32 $0x18780  }
0x26: {  	v0 =	vld [tilespmem:s28+$0x70]  }
0x27: {  	v1 =	vld [tilespmem:s28+$0xFFFFFF90]  }
0x28: {  	v2 =	vld [tilespmem:s28+$0xFFFFFFA0]  }
0x29: {  	v3 =	vld [tilespmem:s28+$0xFFFFFFB0]  }
0x2a: {  	v4 =	vld [tilespmem:s28+$0xFFFFFFC0]  }
0x2b: {  	v5 =	vld [tilespmem:s28+$0xFFFFFFD0]  }
0x2c: {  	v6 =	vld [tilespmem:s28+$0xFFFFFFE0]  }
0x2d: {  	v7 =	vld [tilespmem:s28+$0xFFFFFFF0]  }
0x2e: {  	v8 =	vld [tilespmem:s28+$0x0]  }
0x2f: {  	v9 =	vld [tilespmem:s28+$0x10]  }
0x30: {  	v10 =	vld [tilespmem:s28+$0x20]  }
0x31: {  	v11 =	vld [tilespmem:s28+$0x30]  }
0x32: {  	v12 =	vld [tilespmem:s28+$0x40]  }
0x33: {  	v13 =	vld [tilespmem:s28+$0x50]  }
0x34: {  	v14 =	vld [tilespmem:s28+$0x60]  }
0x35: {  	v15 =	vld [tilespmem:s28+$0xFFFFFF80]  }
0x36: {  	v0 =	vld.idx.msk [tilespmem:v0+s3+$0x0], $0xffff  }
0x37: {  	v1 =	vld.idx.msk [tilespmem:v1+s3+$0x0], $0xffff  }
0x38: {  	v2 =	vld.idx.msk [tilespmem:v2+s3+$0x0], $0xffff  }
0x39: {  	v3 =	vld.idx.msk [tilespmem:v3+s3+$0x0], $0xffff  }
0x3a: {  	v4 =	vld.idx.msk [tilespmem:v4+s3+$0x0], $0xffff  }
0x3b: {  	s28 =	simm.s32 $0x1A780;
	v5 =	vld.idx.msk [tilespmem:v5+s3+$0x0], $0xffff  }
0x3c: {  	v6 =	vld.idx.msk [tilespmem:v6+s3+$0x0], $0xffff;
	[tilespmem:s28+$0x70] =	vst v0  }
0x3d: {  	v7 =	vld.idx.msk [tilespmem:v7+s3+$0x0], $0xffff;
	[tilespmem:s28+$0xFFFFFF90] =	vst v1  }
0x3e: {  	v15 =	vld.idx.msk [tilespmem:v15+s3+$0x0], $0xffff;
	[tilespmem:s28+$0xFFFFFFA0] =	vst v2  }
0x3f: {  	v8 =	vld.idx.msk [tilespmem:v8+s3+$0x0], $0xffff;
	[tilespmem:s28+$0xFFFFFFB0] =	vst v3  }
0x40: {  	[tilespmem:s28+$0xFFFFFFC0] =	vst v4;
	v0 =	vld.idx.msk [tilespmem:v9+s3+$0x0], $0xffff  }
0x41: {  	[tilespmem:s28+$0xFFFFFFD0] =	vst v5;
	v1 =	vld.idx.msk [tilespmem:v10+s3+$0x0], $0xffff  }
0x42: {  	[tilespmem:s28+$0xFFFFFFE0] =	vst v6;
	v2 =	vld.idx.msk [tilespmem:v11+s3+$0x0], $0xffff  }
0x43: {  	[tilespmem:s28+$0xFFFFFFF0] =	vst v7;
	v3 =	vld.idx.msk [tilespmem:v12+s3+$0x0], $0xffff  }
0x44: {  	[tilespmem:s28+$0xFFFFFF80] =	vst v15;
	v4 =	vld.idx.msk [tilespmem:v13+s3+$0x0], $0xffff  }
0x45: {  	s29 =	sshll.u32 s22, $0x1;
	s30 =	simm.s32 $0x0;
	s31 =	simm.s32 $0x18880;
	[tilespmem:s28+$0x0] =	vst v8;
	v5 =	vld.idx.msk [tilespmem:v14+s3+$0x0], $0xffff  }
.LBB2_4:
0x46: {  	v6 =	vld [tilespmem:s31+$0x70];
	s30 =	sadd.s32 $0x10, s30;
	[tilespmem:s28+$0x10] =	vst v0  }
0x47: {  	v0 =	vld [tilespmem:s31+$0xFFFFFF90];
	p1 =	slt.u32 s30, $0xF0;
	[tilespmem:s28+$0x20] =	vst v1  }
0x48: {  	v1 =	vld [tilespmem:s31+$0xFFFFFFA0];
	[tilespmem:s28+$0x30] =	vst v2  }
0x49: {  	v2 =	vld [tilespmem:s31+$0xFFFFFFB0];
	[tilespmem:s28+$0x40] =	vst v3  }
0x4a: {  	v3 =	vld [tilespmem:s31+$0xFFFFFFC0];
	[tilespmem:s28+$0x50] =	vst v4  }
0x4b: {  	v4 =	vld [tilespmem:s31+$0xFFFFFFD0];
	[tilespmem:s28+$0x60] =	vst v5  }
0x4c: {  	v5 =	vld [tilespmem:s31+$0xFFFFFFE0]  }
0x4d: {  	v7 =	vld [tilespmem:s31+$0xFFFFFFF0]  }
0x4e: {  	v6 =	vld.idx.msk [tilespmem:v6+s3+$0x0], $0xffff  }
0x4f: {  	v8 =	vld [tilespmem:s31+$0x0]  }
0x50: {  	v9 =	vld [tilespmem:s31+$0x10]  }
0x51: {  	v10 =	vld [tilespmem:s31+$0x20]  }
0x52: {  	v11 =	vld [tilespmem:s31+$0x30]  }
0x53: {  	s28 =	sadd.s32 $0x100, s28;
	v12 =	vld [tilespmem:s31+$0x40]  }
0x54: {  	v13 =	vld [tilespmem:s31+$0x50];
	[tilespmem:s28+$0x70] =	vst v6  }
0x55: {  	v6 =	vld [tilespmem:s31+$0x60]  }
0x56: {  	v14 =	vld [tilespmem:s31+$0xFFFFFF80]  }
0x57: {  	v0 =	vld.idx.msk [tilespmem:v0+s3+$0x0], $0xffff  }
0x58: {  	v1 =	vld.idx.msk [tilespmem:v1+s3+$0x0], $0xffff  }
0x59: {  	v2 =	vld.idx.msk [tilespmem:v2+s3+$0x0], $0xffff  }
0x5a: {  	v3 =	vld.idx.msk [tilespmem:v3+s3+$0x0], $0xffff  }
0x5b: {  	v4 =	vld.idx.msk [tilespmem:v4+s3+$0x0], $0xffff  }
0x5c: {  	v5 =	vld.idx.msk [tilespmem:v5+s3+$0x0], $0xffff  }
0x5d: {  	[tilespmem:s28+$0xFFFFFF90] =	vst v0;
	v7 =	vld.idx.msk [tilespmem:v7+s3+$0x0], $0xffff  }
0x5e: {  	v14 =	vld.idx.msk [tilespmem:v14+s3+$0x0], $0xffff;
	[tilespmem:s28+$0xFFFFFFA0] =	vst v1  }
0x5f: {  	[tilespmem:s28+$0xFFFFFFB0] =	vst v2;
	v8 =	vld.idx.msk [tilespmem:v8+s3+$0x0], $0xffff  }
0x60: {  	[tilespmem:s28+$0xFFFFFFC0] =	vst v3;
	v0 =	vld.idx.msk [tilespmem:v9+s3+$0x0], $0xffff  }
.Ltmp0:
0x61: {  	[tilespmem:s28+$0xFFFFFFD0] =	vst v4;
	v1 =	vld.idx.msk [tilespmem:v10+s3+$0x0], $0xffff;
	(pc) =	sbr.rel @p1 .LBB2_4-.Ltmp0, $4  }
0x62: {  	[tilespmem:s28+$0xFFFFFFE0] =	vst v5;
	v2 =	vld.idx.msk [tilespmem:v11+s3+$0x0], $0xffff  }
0x63: {  	[tilespmem:s28+$0xFFFFFFF0] =	vst v7;
	v3 =	vld.idx.msk [tilespmem:v12+s3+$0x0], $0xffff  }
0x64: {  	[tilespmem:s28+$0xFFFFFF80] =	vst v14;
	v4 =	vld.idx.msk [tilespmem:v13+s3+$0x0], $0xffff  }
0x65: {  	s31 =	sadd.s32 $0x100, s31;
	[tilespmem:s28+$0x0] =	vst v8;
	v5 =	vld.idx.msk [tilespmem:v6+s3+$0x0], $0xffff  }
0x66: {  	[tilespmem:s28+$0x10] =	vst v0  }
0x67: {  	[tilespmem:s28+$0x20] =	vst v1;
	s30 =	smul.u32 $0x680000, s22;
	p1 =	sne.s32 s22, $0x9  }
.Ltmp1:
0x68: {  	[tilespmem:s28+$0x30] =	vst v2;
	(pc) =	sbr.rel @p1 .LBB2_7-.Ltmp1, $4  }
0x69: {  	[tilespmem:s28+$0x40] =	vst v3;
	s30 =	sadd.s32 s24, s30  }
0x6a: {  	[tilespmem:s28+$0x50] =	vst v4;
	s30 =	sshrl.u32 s30, $0x3  }
0x6b: {  	[tilespmem:s28+$0x60] =	vst v5;
	s31 =	sadd.s32 s2, s30  }
0x6c: {  	[hbm4b:s31+s13] =	stream.strided.scatter [tilespmem:s15], [sflag:$0x3], $0x1000, s14, s13, $0x38;
	[tilespmem:$0x1C700] =	vst v63  }
.Ltmp2:
0x6d: {  	(pc) =	sbr.rel .LBB2_8-.Ltmp2, $4  }
0x6e: {  	_ = 	snop  }
0x6f: {  	_ =	swait.ge [sflag:s16], $0x1000  }
0x70: {  	[sflag:s16] =	ssyncset.done $0x0  }
0x71: {  	[sflag:s16] =	ssyncadd.s32 $0xFFFFF000  }
.LBB2_7:
0x72: {  	s28 =	sadd.s32 s29, s25  }
0x73: {  	s28 =	sshll.u32 s28, $0x9  }
.Ltmp3:
0x74: {  	s28 =	sadd.s32 s5, s28;
	(pc) =	sbr.rel @p0 .LBB2_9-.Ltmp3, $4  }
0x75: {  	[tilespmem:s10], [sflag:$0x1] =	stream.linear.gather [hbm4b:s28+s3], $0x1000, $0x38;
	[tilespmem:$0x1C700] =	vst v63  }
0x76: {  	_ =	swait.ge [sflag:s16], $0x1000  }
0x77: {  	[sflag:s16] =	ssyncset.done $0x0  }
0x78: {  	[sflag:s16] =	ssyncadd.s32 $0xFFFFF000  }
.LBB2_8:
0x79: {  	_ =	swait.ge [sflag:s17], $0x1000  }
0x7a: {  	[sflag:s17] =	ssyncset.done $0x0  }
0x7b: {  	[sflag:s17] =	ssyncadd.s32 $0xFFFFF000  }
.LBB2_9:
0x7c: {  	s28 =	simm.s32 $0x19780  }
0x7d: {  	v0 =	vld [tilespmem:s28+$0x70]  }
0x7e: {  	v1 =	vld [tilespmem:s28+$0xFFFFFF90]  }
0x7f: {  	v2 =	vld [tilespmem:s28+$0xFFFFFFA0]  }
0x80: {  	v3 =	vld [tilespmem:s28+$0xFFFFFFB0]  }
0x81: {  	v4 =	vld [tilespmem:s28+$0xFFFFFFC0]  }
0x82: {  	v5 =	vld [tilespmem:s28+$0xFFFFFFD0]  }
0x83: {  	v6 =	vld [tilespmem:s28+$0xFFFFFFE0]  }
0x84: {  	v7 =	vld [tilespmem:s28+$0xFFFFFFF0]  }
0x85: {  	v8 =	vld [tilespmem:s28+$0x0]  }
0x86: {  	v9 =	vld [tilespmem:s28+$0x10]  }
0x87: {  	v10 =	vld [tilespmem:s28+$0x20]  }
0x88: {  	v11 =	vld [tilespmem:s28+$0x30]  }
0x89: {  	v12 =	vld [tilespmem:s28+$0x40]  }
0x8a: {  	v13 =	vld [tilespmem:s28+$0x50]  }
0x8b: {  	v14 =	vld [tilespmem:s28+$0x60]  }
0x8c: {  	v15 =	vld [tilespmem:s28+$0xFFFFFF80]  }
0x8d: {  	v0 =	vld.idx.msk [tilespmem:v0+s3+$0x0], $0xffff  }
0x8e: {  	v1 =	vld.idx.msk [tilespmem:v1+s3+$0x0], $0xffff  }
0x8f: {  	v2 =	vld.idx.msk [tilespmem:v2+s3+$0x0], $0xffff  }
0x90: {  	v3 =	vld.idx.msk [tilespmem:v3+s3+$0x0], $0xffff  }
0x91: {  	v4 =	vld.idx.msk [tilespmem:v4+s3+$0x0], $0xffff  }
0x92: {  	s28 =	simm.s32 $0x1B780;
	v5 =	vld.idx.msk [tilespmem:v5+s3+$0x0], $0xffff  }
0x93: {  	v6 =	vld.idx.msk [tilespmem:v6+s3+$0x0], $0xffff;
	[tilespmem:s28+$0x70] =	vst v0  }
0x94: {  	v7 =	vld.idx.msk [tilespmem:v7+s3+$0x0], $0xffff;
	[tilespmem:s28+$0xFFFFFF90] =	vst v1  }
0x95: {  	v15 =	vld.idx.msk [tilespmem:v15+s3+$0x0], $0xffff;
	[tilespmem:s28+$0xFFFFFFA0] =	vst v2  }
0x96: {  	v8 =	vld.idx.msk [tilespmem:v8+s3+$0x0], $0xffff;
	[tilespmem:s28+$0xFFFFFFB0] =	vst v3  }
0x97: {  	[tilespmem:s28+$0xFFFFFFC0] =	vst v4;
	v0 =	vld.idx.msk [tilespmem:v9+s3+$0x0], $0xffff  }
0x98: {  	[tilespmem:s28+$0xFFFFFFD0] =	vst v5;
	v1 =	vld.idx.msk [tilespmem:v10+s3+$0x0], $0xffff  }
0x99: {  	[tilespmem:s28+$0xFFFFFFE0] =	vst v6;
	v2 =	vld.idx.msk [tilespmem:v11+s3+$0x0], $0xffff  }
0x9a: {  	[tilespmem:s28+$0xFFFFFFF0] =	vst v7;
	v3 =	vld.idx.msk [tilespmem:v12+s3+$0x0], $0xffff  }
0x9b: {  	[tilespmem:s28+$0xFFFFFF80] =	vst v15;
	v4 =	vld.idx.msk [tilespmem:v13+s3+$0x0], $0xffff  }
0x9c: {  	s29 =	simm.s32 $0x0;
	s30 =	simm.s32 $0x19880;
	[tilespmem:s28+$0x0] =	vst v8;
	v5 =	vld.idx.msk [tilespmem:v14+s3+$0x0], $0xffff  }
.LBB2_10:
0x9d: {  	v6 =	vld [tilespmem:s30+$0x70];
	s29 =	sadd.s32 $0x10, s29;
	[tilespmem:s28+$0x10] =	vst v0  }
0x9e: {  	v0 =	vld [tilespmem:s30+$0xFFFFFF90];
	p0 =	slt.u32 s29, $0xF0;
	[tilespmem:s28+$0x20] =	vst v1  }
0x9f: {  	v1 =	vld [tilespmem:s30+$0xFFFFFFA0];
	[tilespmem:s28+$0x30] =	vst v2  }
0xa0: {  	v2 =	vld [tilespmem:s30+$0xFFFFFFB0];
	[tilespmem:s28+$0x40] =	vst v3  }
0xa1: {  	v3 =	vld [tilespmem:s30+$0xFFFFFFC0];
	[tilespmem:s28+$0x50] =	vst v4  }
0xa2: {  	v4 =	vld [tilespmem:s30+$0xFFFFFFD0];
	[tilespmem:s28+$0x60] =	vst v5  }
0xa3: {  	v5 =	vld [tilespmem:s30+$0xFFFFFFE0]  }
0xa4: {  	v7 =	vld [tilespmem:s30+$0xFFFFFFF0]  }
0xa5: {  	v6 =	vld.idx.msk [tilespmem:v6+s3+$0x0], $0xffff  }
0xa6: {  	v8 =	vld [tilespmem:s30+$0x0]  }
0xa7: {  	v9 =	vld [tilespmem:s30+$0x10]  }
0xa8: {  	v10 =	vld [tilespmem:s30+$0x20]  }
0xa9: {  	v11 =	vld [tilespmem:s30+$0x30]  }
0xaa: {  	s28 =	sadd.s32 $0x100, s28;
	v12 =	vld [tilespmem:s30+$0x40]  }
0xab: {  	v13 =	vld [tilespmem:s30+$0x50];
	[tilespmem:s28+$0x70] =	vst v6  }
0xac: {  	v6 =	vld [tilespmem:s30+$0x60]  }
0xad: {  	v14 =	vld [tilespmem:s30+$0xFFFFFF80]  }
0xae: {  	v0 =	vld.idx.msk [tilespmem:v0+s3+$0x0], $0xffff  }
0xaf: {  	v1 =	vld.idx.msk [tilespmem:v1+s3+$0x0], $0xffff  }
0xb0: {  	v2 =	vld.idx.msk [tilespmem:v2+s3+$0x0], $0xffff  }
0xb1: {  	v3 =	vld.idx.msk [tilespmem:v3+s3+$0x0], $0xffff  }
0xb2: {  	v4 =	vld.idx.msk [tilespmem:v4+s3+$0x0], $0xffff  }
0xb3: {  	v5 =	vld.idx.msk [tilespmem:v5+s3+$0x0], $0xffff  }
0xb4: {  	[tilespmem:s28+$0xFFFFFF90] =	vst v0;
	v7 =	vld.idx.msk [tilespmem:v7+s3+$0x0], $0xffff  }
0xb5: {  	v14 =	vld.idx.msk [tilespmem:v14+s3+$0x0], $0xffff;
	[tilespmem:s28+$0xFFFFFFA0] =	vst v1  }
0xb6: {  	[tilespmem:s28+$0xFFFFFFB0] =	vst v2;
	v8 =	vld.idx.msk [tilespmem:v8+s3+$0x0], $0xffff  }
0xb7: {  	[tilespmem:s28+$0xFFFFFFC0] =	vst v3;
	v0 =	vld.idx.msk [tilespmem:v9+s3+$0x0], $0xffff  }
.Ltmp4:
0xb8: {  	[tilespmem:s28+$0xFFFFFFD0] =	vst v4;
	v1 =	vld.idx.msk [tilespmem:v10+s3+$0x0], $0xffff;
	(pc) =	sbr.rel @p0 .LBB2_10-.Ltmp4, $4  }
0xb9: {  	[tilespmem:s28+$0xFFFFFFE0] =	vst v5;
	v2 =	vld.idx.msk [tilespmem:v11+s3+$0x0], $0xffff  }
0xba: {  	[tilespmem:s28+$0xFFFFFFF0] =	vst v7;
	v3 =	vld.idx.msk [tilespmem:v12+s3+$0x0], $0xffff  }
0xbb: {  	[tilespmem:s28+$0xFFFFFF80] =	vst v14;
	v4 =	vld.idx.msk [tilespmem:v13+s3+$0x0], $0xffff  }
0xbc: {  	s30 =	sadd.s32 $0x100, s30;
	[tilespmem:s28+$0x0] =	vst v8;
	v5 =	vld.idx.msk [tilespmem:v6+s3+$0x0], $0xffff  }
0xbd: {  	[tilespmem:s28+$0x10] =	vst v0;
	s22 =	sadd.s32 $0x1, s22  }
0xbe: {  	[tilespmem:s28+$0x20] =	vst v1;
	s26 =	smul.u32 $0x340000, s26;
	p0 =	sne.s32 s22, $0xA  }
.Ltmp5:
0xbf: {  	[tilespmem:s28+$0x30] =	vst v2;
	(pc) =	sbr.rel @p0 .LBB2_3-.Ltmp5, $4  }
0xc0: {  	[tilespmem:s28+$0x40] =	vst v3;
	s26 =	sadd.s32 s24, s26  }
0xc1: {  	[tilespmem:s28+$0x50] =	vst v4;
	s26 =	sshrl.u32 s26, $0x3  }
0xc2: {  	[tilespmem:s28+$0x60] =	vst v5;
	s26 =	sadd.s32 s2, s26  }
0xc3: {  	[hbm4b:s26+s13] =	stream.strided.scatter [tilespmem:s18], [sflag:$0x4], $0x1000, s14, s13, $0x38;
	[tilespmem:$0x1C700] =	vst v63  }
0xc4: {  	s21 =	sadd.s32 $0x1, s21  }
0xc5: {  	_ =	swait.ge [sflag:s19], $0x1000;
	p0 =	sne.s32 s21, $0x1A  }
.Ltmp6:
0xc6: {  	[sflag:s19] =	ssyncset.done $0x0;
	(pc) =	sbr.rel @p0 .LBB2_2-.Ltmp6, $4  }
0xc7: {  	[sflag:s19] =	ssyncadd.s32 $0xFFFFF000  }
0xc8: {  	_ =	swait.ge [sflag:s17], $0x1000  }
0xc9: {  	[sflag:s17] =	ssyncset.done $0x0  }
0xca: {  	[sflag:s17] =	ssyncadd.s32 $0xFFFFF000  }
0xcb: {  	s20 =	sadd.s32 $0x1, s20  }
0xcc: {  	p0 =	sne.s32 s20, s8  }
.Ltmp7:
0xcd: {  	_ = 	snop;
	(pc) =	sbr.rel @p0 .LBB2_1-.Ltmp7, $1  }
0xce: {  	_ =	sdelay $0x3  }
0xcf: {  	_ =	sfence.sel $0x180000  }
0xd0: {  	[bflag:$0x0] =	sbarrier.arrive $0xFFFF  }
0xd1: {  	p0 =	sne.s32 s1, $0x0;
	_ =	strace $0x9000004A  }
0xd2: {  	s0 =	sadd.s32 @!p0 $0x100000, s0;
	[bflag:$0x2] =	sbarrier.arrive $0xFFFF  }
0xd3: {  	[sflag:s0] =	ssyncadd.tile.s32 @!p0 $0x1;
	_ =	shalt  }
.Lfunc_end2:
_tile_overlayer_lowered:
.L_overlay_start_2:
0xd4: {  	(tag) =	ssettag $0x2  }
0xd5: {  	s0 =	rddreg [dreg:$0x0];
	s2 =	stileid.u32  }
0xd6: {  	s1 =	rddreg [dreg:$0x1];
	p0 =	sne.s32 s2, $0x0  }
0xd7: {  	s3 =	rddreg [dreg:$0x2];
	[bflag:$0x3] =	sbarrier.arrive $0xFFFF;
	s2 =	simm.s32 @!p0 $0x1C05  }
0xd8: {  	[timem:s3], [sflag:s2] =	dma.local @!p0 [hbm:s0], s1  }
0xd9: {  	s0 =	simm.s32 @!p0 $0x5  }
0xda: {  	_ =	swait.ge @!p0 [sflag:s0], s1  }
0xdb: {  	s1 =	ssub.s32 @!p0 $0x0, s1;
	[sflag:s0] =	ssyncset.done @!p0 $0x0  }
0xdc: {  	[sflag:s0] =	ssyncadd.s32 @!p0 s1  }
0xdd: {  	[bflag:$0x3] =	sbarrier.arrive $0xFFFF  }
0xde: {  	_ =	shalt  }

</sc_bundles>
